<compile_context>
chip_gen: v7x
topology: tpu7x:2x2x1
jax: 0.10.2.dev20260603
libtpu: 0.0.44.dev20260713+nightly
codegen_flags: <defaults>
</compile_context>

<pallas_src>
import jax
import jax.numpy as jnp
from jax import lax
from jax.experimental import pallas as pl
from jax.experimental.pallas import tpu as pltpu
from jax.experimental.pallas import tpu_sc as plsc

B = 2
T = 2048
D = 1024
E = 8
K = 2
N = B * T
S = N * K

TBLK = 512
NT = N // TBLK

BLK = 256
S_PAD = S + E * BLK
NB = S_PAD // BLK

NC = 2
NS = 16
NW = NC * NS



NBL = 64


def _gate_kernel(logits_ref, v_ref, pos0_ref, pos1_ref, bex_ref,
                 p_s, carry_s, tril_s):
    ph = pl.program_id(0)
    t = pl.program_id(1)

    logits = logits_ref[...]
    iota = lax.broadcasted_iota(jnp.int32, (TBLK, E), 1)
    l1 = jnp.max(logits, axis=-1, keepdims=True)
    i1 = jnp.min(jnp.where(logits == l1, iota, E), axis=-1, keepdims=True)
    lm = jnp.where(iota == i1, -jnp.inf, logits)
    l2 = jnp.max(lm, axis=-1, keepdims=True)
    i2 = jnp.min(jnp.where(lm == l2, iota, E), axis=-1, keepdims=True)

    ohsum = ((iota == i1) | (iota == i2)).astype(jnp.float32)

    @pl.when(ph == 0)
    def _phase_count():
        @pl.when(t == 0)
        def _init():
            carry_s[...] = jnp.zeros_like(carry_s)
            r_iota = lax.broadcasted_iota(jnp.int32, (TBLK, TBLK), 0)
            c_iota = lax.broadcasted_iota(jnp.int32, (TBLK, TBLK), 1)
            tril_s[...] = (c_iota < r_iota).astype(jnp.float32)

        pref = jnp.dot(tril_s[...], ohsum, preferred_element_type=jnp.float32)
        p_s[pl.ds(t * TBLK, TBLK), :] = pref + carry_s[...]
        carry_s[...] = carry_s[...] + jnp.sum(ohsum, axis=0, keepdims=True)

    @pl.when(ph == 1)
    def _phase_pos():
        pexp = jnp.exp(logits - l1)
        probs = pexp / jnp.sum(pexp, axis=-1, keepdims=True)
        m1 = jnp.sum(jnp.where(iota == i1, probs, 0.0), axis=-1, keepdims=True)
        m2 = jnp.sum(jnp.where(iota == i2, probs, 0.0), axis=-1, keepdims=True)
        v_ref[...] = jnp.concatenate([m1, m2], axis=-1)
        counts = carry_s[...]
        counts_pad = jnp.ceil(counts * (1.0 / BLK)) * BLK
        e_r = lax.broadcasted_iota(jnp.int32, (E, E), 0)
        e_c = lax.broadcasted_iota(jnp.int32, (E, E), 1)
        upper = (e_r < e_c).astype(jnp.float32)
        gstart = jnp.dot(counts_pad, upper,
                         preferred_element_type=jnp.float32,
                         precision=lax.Precision.HIGHEST)
        dest = gstart + p_s[pl.ds(t * TBLK, TBLK), :]
        pos0 = jnp.sum(jnp.where(iota == i1, dest, 0.0), axis=-1,
                       keepdims=True)
        pos1 = jnp.sum(jnp.where(iota == i2, dest, 0.0), axis=-1,
                       keepdims=True)
        pos0_ref[...] = pos0.astype(jnp.int32)
        pos1_ref[...] = pos1.astype(jnp.int32)

        ends_div = (gstart + counts_pad) * (1.0 / BLK)
        iota8 = lax.broadcasted_iota(jnp.int32, (1, E), 1)
        iota_b = lax.broadcasted_iota(jnp.int32, (1, NBL), 1).astype(
            jnp.float32)
        be = jnp.zeros((1, NBL), jnp.float32)
        for e in range(E):
            v_e = jnp.sum(jnp.where(iota8 == e, ends_div, 0.0), axis=-1,
                          keepdims=True)
            be = be + jnp.where(iota_b >= v_e, 1.0, 0.0)
        bex_ref[...] = jnp.minimum(be, float(E - 1)).astype(jnp.int32)


def _gate(logits):
    return pl.pallas_call(
        _gate_kernel,
        grid=(2, NT),
        in_specs=[pl.BlockSpec((TBLK, E), lambda p, t: (t, 0))],
        out_specs=[pl.BlockSpec((TBLK, K), lambda p, t: (t, 0)),
                   pl.BlockSpec((TBLK, 1), lambda p, t: (t, 0)),
                   pl.BlockSpec((TBLK, 1), lambda p, t: (t, 0)),
                   pl.BlockSpec((1, NBL), lambda p, t: (0, 0))],
        out_shape=[jax.ShapeDtypeStruct((N, K), jnp.float32),
                   jax.ShapeDtypeStruct((N, 1), jnp.int32),
                   jax.ShapeDtypeStruct((N, 1), jnp.int32),
                   jax.ShapeDtypeStruct((1, NBL), jnp.int32)],
        scratch_shapes=[pltpu.VMEM((N, E), jnp.float32),
                        pltpu.VMEM((1, E), jnp.float32),
                        pltpu.VMEM((TBLK, TBLK), jnp.float32)],
    )(logits)



_RCH = 32
_RPW = N // NW
_RNCH = _RPW // _RCH


def _sc_reorder_body(x_hbm, idx0_hbm, idx1_hbm, out_hbm,
                     i0_v, i1_v, buf0, buf1, ls0, ls1, ss0, ss1):
    wid = lax.axis_index("s") * NC + lax.axis_index("c")
    base = wid * _RPW
    pltpu.sync_copy(idx0_hbm.at[wid], i0_v)
    pltpu.sync_copy(idx1_hbm.at[wid], i1_v)
    bufs = (buf0, buf1)
    lsems = (ls0, ls1)
    ssems = (ss0, ss1)
    pend_l = {}
    pend_s = {}

    def start_load(c):
        pend_l[c] = pltpu.async_copy(
            x_hbm.at[pl.ds(base + c * _RCH, _RCH)], bufs[c % 2],
            lsems[c % 2])

    start_load(0)
    for c in range(_RNCH):
        if c + 1 < _RNCH:
            if c >= 1:
                pend_s[2 * (c - 1)].wait()
                pend_s[2 * (c - 1) + 1].wait()
            start_load(c + 1)
        pend_l[c].wait()
        pend_s[2 * c] = pltpu.async_copy(
            bufs[c % 2], out_hbm.at[i0_v.at[c]], ssems[c % 2])
        pend_s[2 * c + 1] = pltpu.async_copy(
            bufs[c % 2], out_hbm.at[i1_v.at[c]], ssems[c % 2])
    pend_s[2 * (_RNCH - 1)].wait()
    pend_s[2 * (_RNCH - 1) + 1].wait()
    if _RNCH >= 2:
        pend_s[2 * (_RNCH - 2)].wait()
        pend_s[2 * (_RNCH - 2) + 1].wait()


def _sc_reorder(x2d, idx0_3d, idx1_3d):
    ncol = x2d.shape[1]
    k = pl.kernel(
        _sc_reorder_body,
        mesh=plsc.VectorSubcoreMesh(core_axis_name="c", subcore_axis_name="s"),
        out_type=jax.ShapeDtypeStruct((S_PAD, ncol), x2d.dtype),
        scratch_types=[pltpu.VMEM((_RNCH, _RCH), jnp.int32),
                       pltpu.VMEM((_RNCH, _RCH), jnp.int32),
                       pltpu.VMEM((_RCH, ncol), x2d.dtype),
                       pltpu.VMEM((_RCH, ncol), x2d.dtype),
                       pltpu.SemaphoreType.DMA,
                       pltpu.SemaphoreType.DMA,
                       pltpu.SemaphoreType.DMA,
                       pltpu.SemaphoreType.DMA],
    )
    return k(x2d, idx0_3d, idx1_3d)



_GCH = 32


def _make_sc_gather_body(nr):
    rpw = nr // NW
    nch = rpw // _GCH

    def body(src_hbm, idx_hbm, out_hbm, idx_v, buf0, buf1, gs0, gs1, ws0, ws1):
        wid = lax.axis_index("s") * NC + lax.axis_index("c")
        base = wid * rpw
        pltpu.sync_copy(idx_hbm.at[pl.ds(base, rpw)], idx_v)
        bufs = (buf0, buf1)
        gsems = (gs0, gs1)
        wsems = (ws0, ws1)
        pend_g = {}
        pend_w = {}

        def start_gather(c):
            pend_g[c] = pltpu.async_copy(
                src_hbm.at[idx_v.at[pl.ds(c * _GCH, _GCH)]],
                bufs[c % 2], gsems[c % 2])

        start_gather(0)
        for c in range(nch):
            if c + 1 < nch:
                if c >= 1:
                    pend_w[c - 1].wait()
                start_gather(c + 1)
            pend_g[c].wait()
            pend_w[c] = pltpu.async_copy(
                bufs[c % 2], out_hbm.at[pl.ds(base + c * _GCH, _GCH)],
                wsems[c % 2])
        pend_w[nch - 1].wait()
        if nch >= 2:
            pend_w[nch - 2].wait()

    return body, rpw


def _sc_gather(src, idx, nr):
    body, rpw = _make_sc_gather_body(nr)
    k = pl.kernel(
        body,
        mesh=plsc.VectorSubcoreMesh(core_axis_name="c", subcore_axis_name="s"),
        out_type=jax.ShapeDtypeStruct((nr, D), src.dtype),
        scratch_types=[pltpu.VMEM((rpw,), jnp.int32),
                       pltpu.VMEM((_GCH, D), src.dtype),
                       pltpu.VMEM((_GCH, D), src.dtype),
                       pltpu.SemaphoreType.DMA,
                       pltpu.SemaphoreType.DMA,
                       pltpu.SemaphoreType.DMA,
                       pltpu.SemaphoreType.DMA],
    )
    return k(src, idx)




def _mm_kernel(be_ref, xs_ref, w_ref, eb_ref, os_ref):
    y = jnp.dot(xs_ref[...], w_ref[0], preferred_element_type=jnp.float32)
    os_ref[...] = y + eb_ref[0]


def _grouped_mm(xs, expert_w, eb3d, block_expert):
    grid_spec = pltpu.PrefetchScalarGridSpec(
        num_scalar_prefetch=1,
        grid=(NB,),
        in_specs=[
            pl.BlockSpec((BLK, D), lambda b, be: (b, 0)),
            pl.BlockSpec((1, D, D), lambda b, be: (be[b], 0, 0)),
            pl.BlockSpec((1, 1, D), lambda b, be: (be[b], 0, 0)),
        ],
        out_specs=pl.BlockSpec((BLK, D), lambda b, be: (b, 0)),
    )
    return pl.pallas_call(
        _mm_kernel,
        grid_spec=grid_spec,
        out_shape=jax.ShapeDtypeStruct((S_PAD, D), jnp.float32),
    )(block_expert, xs, expert_w, eb3d)




def _wadd_kernel(a_ref, b_ref, v_ref, o_ref):
    w = v_ref[...]
    o_ref[...] = a_ref[...] * w[:, 0:1] + b_ref[...] * w[:, 1:2]


def _tc_wadd(gcat, top2v):
    return pl.pallas_call(
        _wadd_kernel,
        grid=(NT,),
        in_specs=[pl.BlockSpec((TBLK, D), lambda t: (t, 0)),
                  pl.BlockSpec((TBLK, D), lambda t: (t + NT, 0)),
                  pl.BlockSpec((TBLK, K), lambda t: (t, 0))],
        out_specs=pl.BlockSpec((TBLK, D), lambda t: (t, 0)),
        out_shape=jax.ShapeDtypeStruct((N, D), jnp.float32),
    )(gcat, gcat, top2v)




@jax.jit
def kernel(hidden_states, gate_w, gate_b, expert_w, expert_b):
    x2d = hidden_states.reshape(N, D)
    eb3d = expert_b.reshape(E, 1, D)

    logits = (hidden_states @ gate_w + gate_b).reshape(N, E)

    top2v, pos0, pos1, bex = _gate(logits)

    block_expert = bex[0, :NB]
    idx0_3d = pos0.reshape(NW, _RNCH, _RCH)
    idx1_3d = pos1.reshape(NW, _RNCH, _RCH)
    idxcat = jnp.concatenate([pos0.reshape(N), pos1.reshape(N)])

    xs = _sc_reorder(x2d, idx0_3d, idx1_3d)

    os_ = _grouped_mm(xs, expert_w, eb3d, block_expert)

    gcat = _sc_gather(os_, idxcat, 2 * N)
    out = _tc_wadd(gcat, top2v)

    return out.reshape(B, T, D)

# --- scband reference (transcript-rebuilt; emitter-appended) ---
"""Pipeline reference for scband-mo-egptoss-25958782337094 (READ-ONLY COPY).

The authoritative reference and input builder live on the scoring server;
editing this copy changes nothing except your own understanding.
"""

import jax, jax.numpy as jnp
import numpy as np

B = 2
T = 2048
D_MODEL = 1024
NUM_EXPERTS = 8
TOP_K = 2

def setup_inputs(seed: int = 0) -> dict:
    key = jax.random.key(seed)
    ks = jax.random.split(key, 4)
    hidden_states = jax.random.normal(ks[0], (B, T, D_MODEL), dtype=jnp.float32)
    gate_w = jax.random.normal(ks[1], (D_MODEL, NUM_EXPERTS), dtype=jnp.float32) * 0.02
    gate_b = jnp.zeros((NUM_EXPERTS,), dtype=jnp.float32)
    expert_w = jax.random.normal(ks[2], (NUM_EXPERTS, D_MODEL, D_MODEL), dtype=jnp.float32) * 0.02
    expert_b = jnp.zeros((NUM_EXPERTS, D_MODEL), dtype=jnp.float32)
    return {"hidden_states": hidden_states, "gate_w": gate_w, "gate_b": gate_b,
            "expert_w": expert_w, "expert_b": expert_b}

def reference(hidden_states, gate_w, gate_b, expert_w, expert_b):
    # gate_logits = self.gate(hidden_states)
    gate_logits = hidden_states @ gate_w + gate_b            # [B, T, E]
    gate_probs = jax.nn.softmax(gate_logits, axis=-1)        # [B, T, E]
    # topk_vals, topk_idx = torch.topk(gate_probs, top_k, dim=-1)
    topk_vals, topk_idx = jax.lax.top_k(gate_probs, TOP_K)   # [B, T, K]
    # expert_outputs = stack([expert_i(hidden_states) for i], dim=-2)
    expert_outputs = jnp.einsum('btd,edh->bteh', hidden_states, expert_w) + expert_b  # [B, T, E, D]
    moe_output = jnp.zeros_like(hidden_states)
    for k in range(TOP_K):
        idx = topk_idx[..., k][..., None, None]              # [B, T, 1, 1]
        selected = jnp.take_along_axis(expert_outputs, idx, axis=-2)[..., 0, :]  # [B, T, D]
        weight = topk_vals[..., k][..., None]                # [B, T, 1]
        moe_output = moe_output + selected * weight
    return moe_output

if __name__ == "__main__":
    import jax
    _d = setup_inputs()
    print(jax.jit(kernel)(*tuple(_d.values())))

</pallas_src>

<mosaic_0001>
#map = affine_map<(d0, d1) -> (0, 0)>
#map1 = affine_map<(d0, d1) -> (0)>
module attributes {stable_mosaic.version = 14 : i64} {
  func.func @body(%arg0: i32, %arg1: i32, %arg2: memref<10240x1024xf32, #tpu.memory_space<hbm>>, %arg3: memref<8192xi32, #tpu.memory_space<hbm>>, %arg4: memref<8192x1024xf32, #tpu.memory_space<hbm>>, %arg5: memref<256xi32, #tpu.memory_space<vmem>>, %arg6: memref<32x1024xf32, #tpu.memory_space<vmem>>, %arg7: memref<32x1024xf32, #tpu.memory_space<vmem>>, %arg8: memref<!tpu.dma_semaphore, #tpu.memory_space<semaphore_mem>>, %arg9: memref<!tpu.dma_semaphore, #tpu.memory_space<semaphore_mem>>, %arg10: memref<!tpu.dma_semaphore, #tpu.memory_space<semaphore_mem>>, %arg11: memref<!tpu.dma_semaphore, #tpu.memory_space<semaphore_mem>>) attributes {dimension_semantics = [#tpu.dimension_semantics<core_parallel>, #tpu.dimension_semantics<subcore_parallel>], iteration_bounds = array<i64: 2, 16>, scalar_prefetch = 0 : i64, scratch_operands = 7 : i64, tpu.core_type = #tpu.core_type<sc_vector_subcore>, window_params = [{transform_indices = #map}, {transform_indices = #map1}, {transform_indices = #map}]} {
    %mul3A = arith.constant 2 : i32
    %mul3A_0 = arith.muli %arg1, %mul3A : i32
    %add3A = arith.addi %mul3A_0, %arg0 : i32
    %mul3A_1 = arith.constant 256 : i32
    %mul3A_2 = arith.muli %add3A, %mul3A_1 : i32
    "tpu.region"() ({
      %run_scoped3A = tpu.sem_alloc : memref<!tpu.dma_semaphore, #tpu.memory_space<semaphore_mem>>
      %dma_start3A_161 = tpu.memref_slice %arg3[%mul3A_2] : memref<8192xi32, #tpu.memory_space<hbm>> -> memref<256xi32, #tpu.memory_space<hbm>>
      %dma_start3A_162 = tpu.memref_slice %arg3[%mul3A_2] : memref<8192xi32, #tpu.memory_space<hbm>> -> memref<256xi32, #tpu.memory_space<hbm>>
      tpu.enqueue_dma source(%dma_start3A_162 : memref<256xi32, #tpu.memory_space<hbm>>) target(%arg5 : memref<256xi32, #tpu.memory_space<vmem>>) target_semaphore(%run_scoped3A : memref<!tpu.dma_semaphore, #tpu.memory_space<semaphore_mem>>)
      %dma_wait3A_163 = tpu.memref_slice %arg3[%mul3A_2] : memref<8192xi32, #tpu.memory_space<hbm>> -> memref<256xi32, #tpu.memory_space<hbm>>
      %dma_wait3A_164 = tpu.memref_slice %arg3[%mul3A_2] : memref<8192xi32, #tpu.memory_space<hbm>> -> memref<256xi32, #tpu.memory_space<hbm>>
      tpu.wait_dma2 semaphore(%run_scoped3A : memref<!tpu.dma_semaphore, #tpu.memory_space<semaphore_mem>>) src(%dma_wait3A_164 : memref<256xi32, #tpu.memory_space<hbm>>) dst(%arg5 : memref<256xi32, #tpu.memory_space<vmem>>)
      tpu.yield
    }) : () -> ()
    %dma_start3A = arith.constant 0 : i32
    %dma_start3A_3 = tpu.memref_slice %arg5[%dma_start3A] : memref<256xi32, #tpu.memory_space<vmem>> -> memref<32xi32, #tpu.memory_space<vmem>>
    %dma_start3A_4 = arith.constant 0 : i32
    %dma_start3A_5 = arith.constant 0 : i32
    %dma_start3A_6 = tpu.memref_slice %arg2[%dma_start3A_4, %dma_start3A_5] : memref<10240x1024xf32, #tpu.memory_space<hbm>> -> memref<10240x1024xf32, #tpu.memory_space<hbm>>
    tpu.enqueue_indirect_dma source(%dma_start3A_6 : memref<10240x1024xf32, #tpu.memory_space<hbm>>) target(%arg6 : memref<32x1024xf32, #tpu.memory_space<vmem>>) offsets(%dma_start3A_3 : memref<32xi32, #tpu.memory_space<vmem>>) semaphore(%arg8 : memref<!tpu.dma_semaphore, #tpu.memory_space<semaphore_mem>>)
    %dma_start3A_7 = arith.constant 32 : i32
    %dma_start3A_8 = tpu.memref_slice %arg5[%dma_start3A_7] : memref<256xi32, #tpu.memory_space<vmem>> -> memref<32xi32, #tpu.memory_space<vmem>>
    %dma_start3A_9 = arith.constant 0 : i32
    %dma_start3A_10 = arith.constant 0 : i32
    %dma_start3A_11 = tpu.memref_slice %arg2[%dma_start3A_9, %dma_start3A_10] : memref<10240x1024xf32, #tpu.memory_space<hbm>> -> memref<10240x1024xf32, #tpu.memory_space<hbm>>
    tpu.enqueue_indirect_dma source(%dma_start3A_11 : memref<10240x1024xf32, #tpu.memory_space<hbm>>) target(%arg7 : memref<32x1024xf32, #tpu.memory_space<vmem>>) offsets(%dma_start3A_8 : memref<32xi32, #tpu.memory_space<vmem>>) semaphore(%arg9 : memref<!tpu.dma_semaphore, #tpu.memory_space<semaphore_mem>>)
    %dma_wait3A = arith.constant 0 : i32
    %dma_wait3A_12 = tpu.memref_slice %arg5[%dma_wait3A] : memref<256xi32, #tpu.memory_space<vmem>> -> memref<32xi32, #tpu.memory_space<vmem>>
    %dma_wait3A_13 = arith.constant 0 : i32
    %dma_wait3A_14 = arith.constant 0 : i32
    %dma_wait3A_15 = tpu.memref_slice %arg2[%dma_wait3A_13, %dma_wait3A_14] : memref<10240x1024xf32, #tpu.memory_space<hbm>> -> memref<10240x1024xf32, #tpu.memory_space<hbm>>
    tpu.wait_indirect_dma semaphore(%arg8 : memref<!tpu.dma_semaphore, #tpu.memory_space<semaphore_mem>>) src(%dma_wait3A_15 : memref<10240x1024xf32, #tpu.memory_space<hbm>>) dst(%arg6 : memref<32x1024xf32, #tpu.memory_space<vmem>>)
    %add3A_16 = arith.constant 0 : i32
    %add3A_17 = arith.addi %mul3A_2, %add3A_16 : i32
    %dma_start3A_18 = arith.constant 0 : i32
    %dma_start3A_19 = tpu.memref_slice %arg4[%add3A_17, %dma_start3A_18] : memref<8192x1024xf32, #tpu.memory_space<hbm>> -> memref<32x1024xf32, #tpu.memory_space<hbm>>
    %dma_start3A_20 = arith.constant 0 : i32
    %dma_start3A_21 = tpu.memref_slice %arg4[%add3A_17, %dma_start3A_20] : memref<8192x1024xf32, #tpu.memory_space<hbm>> -> memref<32x1024xf32, #tpu.memory_space<hbm>>
    tpu.enqueue_dma source(%arg6 : memref<32x1024xf32, #tpu.memory_space<vmem>>) target(%dma_start3A_21 : memref<32x1024xf32, #tpu.memory_space<hbm>>) target_semaphore(%arg10 : memref<!tpu.dma_semaphore, #tpu.memory_space<semaphore_mem>>)
    %dma_wait3A_22 = arith.constant 0 : i32
    %dma_wait3A_23 = tpu.memref_slice %arg4[%add3A_17, %dma_wait3A_22] : memref<8192x1024xf32, #tpu.memory_space<hbm>> -> memref<32x1024xf32, #tpu.memory_space<hbm>>
    %dma_wait3A_24 = arith.constant 0 : i32
    %dma_wait3A_25 = tpu.memref_slice %arg4[%add3A_17, %dma_wait3A_24] : memref<8192x1024xf32, #tpu.memory_space<hbm>> -> memref<32x1024xf32, #tpu.memory_space<hbm>>
    tpu.wait_dma2 semaphore(%arg10 : memref<!tpu.dma_semaphore, #tpu.memory_space<semaphore_mem>>) src(%arg6 : memref<32x1024xf32, #tpu.memory_space<vmem>>) dst(%dma_wait3A_25 : memref<32x1024xf32, #tpu.memory_space<hbm>>)
    %dma_start3A_26 = arith.constant 64 : i32
    %dma_start3A_27 = tpu.memref_slice %arg5[%dma_start3A_26] : memref<256xi32, #tpu.memory_space<vmem>> -> memref<32xi32, #tpu.memory_space<vmem>>
    %dma_start3A_28 = arith.constant 0 : i32
    %dma_start3A_29 = arith.constant 0 : i32
    %dma_start3A_30 = tpu.memref_slice %arg2[%dma_start3A_28, %dma_start3A_29] : memref<10240x1024xf32, #tpu.memory_space<hbm>> -> memref<10240x1024xf32, #tpu.memory_space<hbm>>
    tpu.enqueue_indirect_dma source(%dma_start3A_30 : memref<10240x1024xf32, #tpu.memory_space<hbm>>) target(%arg6 : memref<32x1024xf32, #tpu.memory_space<vmem>>) offsets(%dma_start3A_27 : memref<32xi32, #tpu.memory_space<vmem>>) semaphore(%arg8 : memref<!tpu.dma_semaphore, #tpu.memory_space<semaphore_mem>>)
    %dma_wait3A_31 = arith.constant 32 : i32
    %dma_wait3A_32 = tpu.memref_slice %arg5[%dma_wait3A_31] : memref<256xi32, #tpu.memory_space<vmem>> -> memref<32xi32, #tpu.memory_space<vmem>>
    %dma_wait3A_33 = arith.constant 0 : i32
    %dma_wait3A_34 = arith.constant 0 : i32
    %dma_wait3A_35 = tpu.memref_slice %arg2[%dma_wait3A_33, %dma_wait3A_34] : memref<10240x1024xf32, #tpu.memory_space<hbm>> -> memref<10240x1024xf32, #tpu.memory_space<hbm>>
    tpu.wait_indirect_dma semaphore(%arg9 : memref<!tpu.dma_semaphore, #tpu.memory_space<semaphore_mem>>) src(%dma_wait3A_35 : memref<10240x1024xf32, #tpu.memory_space<hbm>>) dst(%arg7 : memref<32x1024xf32, #tpu.memory_space<vmem>>)
    %add3A_36 = arith.constant 32 : i32
    %add3A_37 = arith.addi %mul3A_2, %add3A_36 : i32
    %dma_start3A_38 = arith.constant 0 : i32
    %dma_start3A_39 = tpu.memref_slice %arg4[%add3A_37, %dma_start3A_38] : memref<8192x1024xf32, #tpu.memory_space<hbm>> -> memref<32x1024xf32, #tpu.memory_space<hbm>>
    %dma_start3A_40 = arith.constant 0 : i32
    %dma_start3A_41 = tpu.memref_slice %arg4[%add3A_37, %dma_start3A_40] : memref<8192x1024xf32, #tpu.memory_space<hbm>> -> memref<32x1024xf32, #tpu.memory_space<hbm>>
    tpu.enqueue_dma source(%arg7 : memref<32x1024xf32, #tpu.memory_space<vmem>>) target(%dma_start3A_41 : memref<32x1024xf32, #tpu.memory_space<hbm>>) target_semaphore(%arg11 : memref<!tpu.dma_semaphore, #tpu.memory_space<semaphore_mem>>)
    %dma_wait3A_42 = arith.constant 0 : i32
    %dma_wait3A_43 = tpu.memref_slice %arg4[%add3A_37, %dma_wait3A_42] : memref<8192x1024xf32, #tpu.memory_space<hbm>> -> memref<32x1024xf32, #tpu.memory_space<hbm>>
    %dma_wait3A_44 = arith.constant 0 : i32
    %dma_wait3A_45 = tpu.memref_slice %arg4[%add3A_37, %dma_wait3A_44] : memref<8192x1024xf32, #tpu.memory_space<hbm>> -> memref<32x1024xf32, #tpu.memory_space<hbm>>
    tpu.wait_dma2 semaphore(%arg11 : memref<!tpu.dma_semaphore, #tpu.memory_space<semaphore_mem>>) src(%arg7 : memref<32x1024xf32, #tpu.memory_space<vmem>>) dst(%dma_wait3A_45 : memref<32x1024xf32, #tpu.memory_space<hbm>>)
    %dma_start3A_46 = arith.constant 96 : i32
    %dma_start3A_47 = tpu.memref_slice %arg5[%dma_start3A_46] : memref<256xi32, #tpu.memory_space<vmem>> -> memref<32xi32, #tpu.memory_space<vmem>>
    %dma_start3A_48 = arith.constant 0 : i32
    %dma_start3A_49 = arith.constant 0 : i32
    %dma_start3A_50 = tpu.memref_slice %arg2[%dma_start3A_48, %dma_start3A_49] : memref<10240x1024xf32, #tpu.memory_space<hbm>> -> memref<10240x1024xf32, #tpu.memory_space<hbm>>
    tpu.enqueue_indirect_dma source(%dma_start3A_50 : memref<10240x1024xf32, #tpu.memory_space<hbm>>) target(%arg7 : memref<32x1024xf32, #tpu.memory_space<vmem>>) offsets(%dma_start3A_47 : memref<32xi32, #tpu.memory_space<vmem>>) semaphore(%arg9 : memref<!tpu.dma_semaphore, #tpu.memory_space<semaphore_mem>>)
    %dma_wait3A_51 = arith.constant 64 : i32
    %dma_wait3A_52 = tpu.memref_slice %arg5[%dma_wait3A_51] : memref<256xi32, #tpu.memory_space<vmem>> -> memref<32xi32, #tpu.memory_space<vmem>>
    %dma_wait3A_53 = arith.constant 0 : i32
    %dma_wait3A_54 = arith.constant 0 : i32
    %dma_wait3A_55 = tpu.memref_slice %arg2[%dma_wait3A_53, %dma_wait3A_54] : memref<10240x1024xf32, #tpu.memory_space<hbm>> -> memref<10240x1024xf32, #tpu.memory_space<hbm>>
    tpu.wait_indirect_dma semaphore(%arg8 : memref<!tpu.dma_semaphore, #tpu.memory_space<semaphore_mem>>) src(%dma_wait3A_55 : memref<10240x1024xf32, #tpu.memory_space<hbm>>) dst(%arg6 : memref<32x1024xf32, #tpu.memory_space<vmem>>)
    %add3A_56 = arith.constant 64 : i32
    %add3A_57 = arith.addi %mul3A_2, %add3A_56 : i32
    %dma_start3A_58 = arith.constant 0 : i32
    %dma_start3A_59 = tpu.memref_slice %arg4[%add3A_57, %dma_start3A_58] : memref<8192x1024xf32, #tpu.memory_space<hbm>> -> memref<32x1024xf32, #tpu.memory_space<hbm>>
    %dma_start3A_60 = arith.constant 0 : i32
    %dma_start3A_61 = tpu.memref_slice %arg4[%add3A_57, %dma_start3A_60] : memref<8192x1024xf32, #tpu.memory_space<hbm>> -> memref<32x1024xf32, #tpu.memory_space<hbm>>
    tpu.enqueue_dma source(%arg6 : memref<32x1024xf32, #tpu.memory_space<vmem>>) target(%dma_start3A_61 : memref<32x1024xf32, #tpu.memory_space<hbm>>) target_semaphore(%arg10 : memref<!tpu.dma_semaphore, #tpu.memory_space<semaphore_mem>>)
    %dma_wait3A_62 = arith.constant 0 : i32
    %dma_wait3A_63 = tpu.memref_slice %arg4[%add3A_57, %dma_wait3A_62] : memref<8192x1024xf32, #tpu.memory_space<hbm>> -> memref<32x1024xf32, #tpu.memory_space<hbm>>
    %dma_wait3A_64 = arith.constant 0 : i32
    %dma_wait3A_65 = tpu.memref_slice %arg4[%add3A_57, %dma_wait3A_64] : memref<8192x1024xf32, #tpu.memory_space<hbm>> -> memref<32x1024xf32, #tpu.memory_space<hbm>>
    tpu.wait_dma2 semaphore(%arg10 : memref<!tpu.dma_semaphore, #tpu.memory_space<semaphore_mem>>) src(%arg6 : memref<32x1024xf32, #tpu.memory_space<vmem>>) dst(%dma_wait3A_65 : memref<32x1024xf32, #tpu.memory_space<hbm>>)
    %dma_start3A_66 = arith.constant 128 : i32
    %dma_start3A_67 = tpu.memref_slice %arg5[%dma_start3A_66] : memref<256xi32, #tpu.memory_space<vmem>> -> memref<32xi32, #tpu.memory_space<vmem>>
    %dma_start3A_68 = arith.constant 0 : i32
    %dma_start3A_69 = arith.constant 0 : i32
    %dma_start3A_70 = tpu.memref_slice %arg2[%dma_start3A_68, %dma_start3A_69] : memref<10240x1024xf32, #tpu.memory_space<hbm>> -> memref<10240x1024xf32, #tpu.memory_space<hbm>>
    tpu.enqueue_indirect_dma source(%dma_start3A_70 : memref<10240x1024xf32, #tpu.memory_space<hbm>>) target(%arg6 : memref<32x1024xf32, #tpu.memory_space<vmem>>) offsets(%dma_start3A_67 : memref<32xi32, #tpu.memory_space<vmem>>) semaphore(%arg8 : memref<!tpu.dma_semaphore, #tpu.memory_space<semaphore_mem>>)
    %dma_wait3A_71 = arith.constant 96 : i32
    %dma_wait3A_72 = tpu.memref_slice %arg5[%dma_wait3A_71] : memref<256xi32, #tpu.memory_space<vmem>> -> memref<32xi32, #tpu.memory_space<vmem>>
    %dma_wait3A_73 = arith.constant 0 : i32
    %dma_wait3A_74 = arith.constant 0 : i32
    %dma_wait3A_75 = tpu.memref_slice %arg2[%dma_wait3A_73, %dma_wait3A_74] : memref<10240x1024xf32, #tpu.memory_space<hbm>> -> memref<10240x1024xf32, #tpu.memory_space<hbm>>
    tpu.wait_indirect_dma semaphore(%arg9 : memref<!tpu.dma_semaphore, #tpu.memory_space<semaphore_mem>>) src(%dma_wait3A_75 : memref<10240x1024xf32, #tpu.memory_space<hbm>>) dst(%arg7 : memref<32x1024xf32, #tpu.memory_space<vmem>>)
    %add3A_76 = arith.constant 96 : i32
    %add3A_77 = arith.addi %mul3A_2, %add3A_76 : i32
    %dma_start3A_78 = arith.constant 0 : i32
    %dma_start3A_79 = tpu.memref_slice %arg4[%add3A_77, %dma_start3A_78] : memref<8192x1024xf32, #tpu.memory_space<hbm>> -> memref<32x1024xf32, #tpu.memory_space<hbm>>
    %dma_start3A_80 = arith.constant 0 : i32
    %dma_start3A_81 = tpu.memref_slice %arg4[%add3A_77, %dma_start3A_80] : memref<8192x1024xf32, #tpu.memory_space<hbm>> -> memref<32x1024xf32, #tpu.memory_space<hbm>>
    tpu.enqueue_dma source(%arg7 : memref<32x1024xf32, #tpu.memory_space<vmem>>) target(%dma_start3A_81 : memref<32x1024xf32, #tpu.memory_space<hbm>>) target_semaphore(%arg11 : memref<!tpu.dma_semaphore, #tpu.memory_space<semaphore_mem>>)
    %dma_wait3A_82 = arith.constant 0 : i32
    %dma_wait3A_83 = tpu.memref_slice %arg4[%add3A_77, %dma_wait3A_82] : memref<8192x1024xf32, #tpu.memory_space<hbm>> -> memref<32x1024xf32, #tpu.memory_space<hbm>>
    %dma_wait3A_84 = arith.constant 0 : i32
    %dma_wait3A_85 = tpu.memref_slice %arg4[%add3A_77, %dma_wait3A_84] : memref<8192x1024xf32, #tpu.memory_space<hbm>> -> memref<32x1024xf32, #tpu.memory_space<hbm>>
    tpu.wait_dma2 semaphore(%arg11 : memref<!tpu.dma_semaphore, #tpu.memory_space<semaphore_mem>>) src(%arg7 : memref<32x1024xf32, #tpu.memory_space<vmem>>) dst(%dma_wait3A_85 : memref<32x1024xf32, #tpu.memory_space<hbm>>)
    %dma_start3A_86 = arith.constant 160 : i32
    %dma_start3A_87 = tpu.memref_slice %arg5[%dma_start3A_86] : memref<256xi32, #tpu.memory_space<vmem>> -> memref<32xi32, #tpu.memory_space<vmem>>
    %dma_start3A_88 = arith.constant 0 : i32
    %dma_start3A_89 = arith.constant 0 : i32
    %dma_start3A_90 = tpu.memref_slice %arg2[%dma_start3A_88, %dma_start3A_89] : memref<10240x1024xf32, #tpu.memory_space<hbm>> -> memref<10240x1024xf32, #tpu.memory_space<hbm>>
    tpu.enqueue_indirect_dma source(%dma_start3A_90 : memref<10240x1024xf32, #tpu.memory_space<hbm>>) target(%arg7 : memref<32x1024xf32, #tpu.memory_space<vmem>>) offsets(%dma_start3A_87 : memref<32xi32, #tpu.memory_space<vmem>>) semaphore(%arg9 : memref<!tpu.dma_semaphore, #tpu.memory_space<semaphore_mem>>)
    %dma_wait3A_91 = arith.constant 128 : i32
    %dma_wait3A_92 = tpu.memref_slice %arg5[%dma_wait3A_91] : memref<256xi32, #tpu.memory_space<vmem>> -> memref<32xi32, #tpu.memory_space<vmem>>
    %dma_wait3A_93 = arith.constant 0 : i32
    %dma_wait3A_94 = arith.constant 0 : i32
    %dma_wait3A_95 = tpu.memref_slice %arg2[%dma_wait3A_93, %dma_wait3A_94] : memref<10240x1024xf32, #tpu.memory_space<hbm>> -> memref<10240x1024xf32, #tpu.memory_space<hbm>>
    tpu.wait_indirect_dma semaphore(%arg8 : memref<!tpu.dma_semaphore, #tpu.memory_space<semaphore_mem>>) src(%dma_wait3A_95 : memref<10240x1024xf32, #tpu.memory_space<hbm>>) dst(%arg6 : memref<32x1024xf32, #tpu.memory_space<vmem>>)
    %add3A_96 = arith.constant 128 : i32
    %add3A_97 = arith.addi %mul3A_2, %add3A_96 : i32
    %dma_start3A_98 = arith.constant 0 : i32
    %dma_start3A_99 = tpu.memref_slice %arg4[%add3A_97, %dma_start3A_98] : memref<8192x1024xf32, #tpu.memory_space<hbm>> -> memref<32x1024xf32, #tpu.memory_space<hbm>>
    %dma_start3A_100 = arith.constant 0 : i32
    %dma_start3A_101 = tpu.memref_slice %arg4[%add3A_97, %dma_start3A_100] : memref<8192x1024xf32, #tpu.memory_space<hbm>> -> memref<32x1024xf32, #tpu.memory_space<hbm>>
    tpu.enqueue_dma source(%arg6 : memref<32x1024xf32, #tpu.memory_space<vmem>>) target(%dma_start3A_101 : memref<32x1024xf32, #tpu.memory_space<hbm>>) target_semaphore(%arg10 : memref<!tpu.dma_semaphore, #tpu.memory_space<semaphore_mem>>)
    %dma_wait3A_102 = arith.constant 0 : i32
    %dma_wait3A_103 = tpu.memref_slice %arg4[%add3A_97, %dma_wait3A_102] : memref<8192x1024xf32, #tpu.memory_space<hbm>> -> memref<32x1024xf32, #tpu.memory_space<hbm>>
    %dma_wait3A_104 = arith.constant 0 : i32
    %dma_wait3A_105 = tpu.memref_slice %arg4[%add3A_97, %dma_wait3A_104] : memref<8192x1024xf32, #tpu.memory_space<hbm>> -> memref<32x1024xf32, #tpu.memory_space<hbm>>
    tpu.wait_dma2 semaphore(%arg10 : memref<!tpu.dma_semaphore, #tpu.memory_space<semaphore_mem>>) src(%arg6 : memref<32x1024xf32, #tpu.memory_space<vmem>>) dst(%dma_wait3A_105 : memref<32x1024xf32, #tpu.memory_space<hbm>>)
    %dma_start3A_106 = arith.constant 192 : i32
    %dma_start3A_107 = tpu.memref_slice %arg5[%dma_start3A_106] : memref<256xi32, #tpu.memory_space<vmem>> -> memref<32xi32, #tpu.memory_space<vmem>>
    %dma_start3A_108 = arith.constant 0 : i32
    %dma_start3A_109 = arith.constant 0 : i32
    %dma_start3A_110 = tpu.memref_slice %arg2[%dma_start3A_108, %dma_start3A_109] : memref<10240x1024xf32, #tpu.memory_space<hbm>> -> memref<10240x1024xf32, #tpu.memory_space<hbm>>
    tpu.enqueue_indirect_dma source(%dma_start3A_110 : memref<10240x1024xf32, #tpu.memory_space<hbm>>) target(%arg6 : memref<32x1024xf32, #tpu.memory_space<vmem>>) offsets(%dma_start3A_107 : memref<32xi32, #tpu.memory_space<vmem>>) semaphore(%arg8 : memref<!tpu.dma_semaphore, #tpu.memory_space<semaphore_mem>>)
    %dma_wait3A_111 = arith.constant 160 : i32
    %dma_wait3A_112 = tpu.memref_slice %arg5[%dma_wait3A_111] : memref<256xi32, #tpu.memory_space<vmem>> -> memref<32xi32, #tpu.memory_space<vmem>>
    %dma_wait3A_113 = arith.constant 0 : i32
    %dma_wait3A_114 = arith.constant 0 : i32
    %dma_wait3A_115 = tpu.memref_slice %arg2[%dma_wait3A_113, %dma_wait3A_114] : memref<10240x1024xf32, #tpu.memory_space<hbm>> -> memref<10240x1024xf32, #tpu.memory_space<hbm>>
    tpu.wait_indirect_dma semaphore(%arg9 : memref<!tpu.dma_semaphore, #tpu.memory_space<semaphore_mem>>) src(%dma_wait3A_115 : memref<10240x1024xf32, #tpu.memory_space<hbm>>) dst(%arg7 : memref<32x1024xf32, #tpu.memory_space<vmem>>)
    %add3A_116 = arith.constant 160 : i32
    %add3A_117 = arith.addi %mul3A_2, %add3A_116 : i32
    %dma_start3A_118 = arith.constant 0 : i32
    %dma_start3A_119 = tpu.memref_slice %arg4[%add3A_117, %dma_start3A_118] : memref<8192x1024xf32, #tpu.memory_space<hbm>> -> memref<32x1024xf32, #tpu.memory_space<hbm>>
    %dma_start3A_120 = arith.constant 0 : i32
    %dma_start3A_121 = tpu.memref_slice %arg4[%add3A_117, %dma_start3A_120] : memref<8192x1024xf32, #tpu.memory_space<hbm>> -> memref<32x1024xf32, #tpu.memory_space<hbm>>
    tpu.enqueue_dma source(%arg7 : memref<32x1024xf32, #tpu.memory_space<vmem>>) target(%dma_start3A_121 : memref<32x1024xf32, #tpu.memory_space<hbm>>) target_semaphore(%arg11 : memref<!tpu.dma_semaphore, #tpu.memory_space<semaphore_mem>>)
    %dma_wait3A_122 = arith.constant 0 : i32
    %dma_wait3A_123 = tpu.memref_slice %arg4[%add3A_117, %dma_wait3A_122] : memref<8192x1024xf32, #tpu.memory_space<hbm>> -> memref<32x1024xf32, #tpu.memory_space<hbm>>
    %dma_wait3A_124 = arith.constant 0 : i32
    %dma_wait3A_125 = tpu.memref_slice %arg4[%add3A_117, %dma_wait3A_124] : memref<8192x1024xf32, #tpu.memory_space<hbm>> -> memref<32x1024xf32, #tpu.memory_space<hbm>>
    tpu.wait_dma2 semaphore(%arg11 : memref<!tpu.dma_semaphore, #tpu.memory_space<semaphore_mem>>) src(%arg7 : memref<32x1024xf32, #tpu.memory_space<vmem>>) dst(%dma_wait3A_125 : memref<32x1024xf32, #tpu.memory_space<hbm>>)
    %dma_start3A_126 = arith.constant 224 : i32
    %dma_start3A_127 = tpu.memref_slice %arg5[%dma_start3A_126] : memref<256xi32, #tpu.memory_space<vmem>> -> memref<32xi32, #tpu.memory_space<vmem>>
    %dma_start3A_128 = arith.constant 0 : i32
    %dma_start3A_129 = arith.constant 0 : i32
    %dma_start3A_130 = tpu.memref_slice %arg2[%dma_start3A_128, %dma_start3A_129] : memref<10240x1024xf32, #tpu.memory_space<hbm>> -> memref<10240x1024xf32, #tpu.memory_space<hbm>>
    tpu.enqueue_indirect_dma source(%dma_start3A_130 : memref<10240x1024xf32, #tpu.memory_space<hbm>>) target(%arg7 : memref<32x1024xf32, #tpu.memory_space<vmem>>) offsets(%dma_start3A_127 : memref<32xi32, #tpu.memory_space<vmem>>) semaphore(%arg9 : memref<!tpu.dma_semaphore, #tpu.memory_space<semaphore_mem>>)
    %dma_wait3A_131 = arith.constant 192 : i32
    %dma_wait3A_132 = tpu.memref_slice %arg5[%dma_wait3A_131] : memref<256xi32, #tpu.memory_space<vmem>> -> memref<32xi32, #tpu.memory_space<vmem>>
    %dma_wait3A_133 = arith.constant 0 : i32
    %dma_wait3A_134 = arith.constant 0 : i32
    %dma_wait3A_135 = tpu.memref_slice %arg2[%dma_wait3A_133, %dma_wait3A_134] : memref<10240x1024xf32, #tpu.memory_space<hbm>> -> memref<10240x1024xf32, #tpu.memory_space<hbm>>
    tpu.wait_indirect_dma semaphore(%arg8 : memref<!tpu.dma_semaphore, #tpu.memory_space<semaphore_mem>>) src(%dma_wait3A_135 : memref<10240x1024xf32, #tpu.memory_space<hbm>>) dst(%arg6 : memref<32x1024xf32, #tpu.memory_space<vmem>>)
    %add3A_136 = arith.constant 192 : i32
    %add3A_137 = arith.addi %mul3A_2, %add3A_136 : i32
    %dma_start3A_138 = arith.constant 0 : i32
    %dma_start3A_139 = tpu.memref_slice %arg4[%add3A_137, %dma_start3A_138] : memref<8192x1024xf32, #tpu.memory_space<hbm>> -> memref<32x1024xf32, #tpu.memory_space<hbm>>
    %dma_start3A_140 = arith.constant 0 : i32
    %dma_start3A_141 = tpu.memref_slice %arg4[%add3A_137, %dma_start3A_140] : memref<8192x1024xf32, #tpu.memory_space<hbm>> -> memref<32x1024xf32, #tpu.memory_space<hbm>>
    tpu.enqueue_dma source(%arg6 : memref<32x1024xf32, #tpu.memory_space<vmem>>) target(%dma_start3A_141 : memref<32x1024xf32, #tpu.memory_space<hbm>>) target_semaphore(%arg10 : memref<!tpu.dma_semaphore, #tpu.memory_space<semaphore_mem>>)
    %dma_wait3A_142 = arith.constant 224 : i32
    %dma_wait3A_143 = tpu.memref_slice %arg5[%dma_wait3A_142] : memref<256xi32, #tpu.memory_space<vmem>> -> memref<32xi32, #tpu.memory_space<vmem>>
    %dma_wait3A_144 = arith.constant 0 : i32
    %dma_wait3A_145 = arith.constant 0 : i32
    %dma_wait3A_146 = tpu.memref_slice %arg2[%dma_wait3A_144, %dma_wait3A_145] : memref<10240x1024xf32, #tpu.memory_space<hbm>> -> memref<10240x1024xf32, #tpu.memory_space<hbm>>
    tpu.wait_indirect_dma semaphore(%arg9 : memref<!tpu.dma_semaphore, #tpu.memory_space<semaphore_mem>>) src(%dma_wait3A_146 : memref<10240x1024xf32, #tpu.memory_space<hbm>>) dst(%arg7 : memref<32x1024xf32, #tpu.memory_space<vmem>>)
    %add3A_147 = arith.constant 224 : i32
    %add3A_148 = arith.addi %mul3A_2, %add3A_147 : i32
    %dma_start3A_149 = arith.constant 0 : i32
    %dma_start3A_150 = tpu.memref_slice %arg4[%add3A_148, %dma_start3A_149] : memref<8192x1024xf32, #tpu.memory_space<hbm>> -> memref<32x1024xf32, #tpu.memory_space<hbm>>
    %dma_start3A_151 = arith.constant 0 : i32
    %dma_start3A_152 = tpu.memref_slice %arg4[%add3A_148, %dma_start3A_151] : memref<8192x1024xf32, #tpu.memory_space<hbm>> -> memref<32x1024xf32, #tpu.memory_space<hbm>>
    tpu.enqueue_dma source(%arg7 : memref<32x1024xf32, #tpu.memory_space<vmem>>) target(%dma_start3A_152 : memref<32x1024xf32, #tpu.memory_space<hbm>>) target_semaphore(%arg11 : memref<!tpu.dma_semaphore, #tpu.memory_space<semaphore_mem>>)
    %dma_wait3A_153 = arith.constant 0 : i32
    %dma_wait3A_154 = tpu.memref_slice %arg4[%add3A_148, %dma_wait3A_153] : memref<8192x1024xf32, #tpu.memory_space<hbm>> -> memref<32x1024xf32, #tpu.memory_space<hbm>>
    %dma_wait3A_155 = arith.constant 0 : i32
    %dma_wait3A_156 = tpu.memref_slice %arg4[%add3A_148, %dma_wait3A_155] : memref<8192x1024xf32, #tpu.memory_space<hbm>> -> memref<32x1024xf32, #tpu.memory_space<hbm>>
    tpu.wait_dma2 semaphore(%arg11 : memref<!tpu.dma_semaphore, #tpu.memory_space<semaphore_mem>>) src(%arg7 : memref<32x1024xf32, #tpu.memory_space<vmem>>) dst(%dma_wait3A_156 : memref<32x1024xf32, #tpu.memory_space<hbm>>)
    %dma_wait3A_157 = arith.constant 0 : i32
    %dma_wait3A_158 = tpu.memref_slice %arg4[%add3A_137, %dma_wait3A_157] : memref<8192x1024xf32, #tpu.memory_space<hbm>> -> memref<32x1024xf32, #tpu.memory_space<hbm>>
    %dma_wait3A_159 = arith.constant 0 : i32
    %dma_wait3A_160 = tpu.memref_slice %arg4[%add3A_137, %dma_wait3A_159] : memref<8192x1024xf32, #tpu.memory_space<hbm>> -> memref<32x1024xf32, #tpu.memory_space<hbm>>
    tpu.wait_dma2 semaphore(%arg10 : memref<!tpu.dma_semaphore, #tpu.memory_space<semaphore_mem>>) src(%arg6 : memref<32x1024xf32, #tpu.memory_space<vmem>>) dst(%dma_wait3A_160 : memref<32x1024xf32, #tpu.memory_space<hbm>>)
    return
  }
}

#map = affine_map<(d0, d1) -> (0, 0)>
#map1 = affine_map<(d0, d1) -> (0, 0, 0)>
module attributes {stable_mosaic.version = 14 : i64} {
  func.func @_sc_reorder_body(%arg0: i32, %arg1: i32, %arg2: memref<4096x1024xf32, #tpu.memory_space<hbm>>, %arg3: memref<32x4x32xi32, #tpu.memory_space<hbm>>, %arg4: memref<32x4x32xi32, #tpu.memory_space<hbm>>, %arg5: memref<10240x1024xf32, #tpu.memory_space<hbm>>, %arg6: memref<4x32xi32, #tpu.memory_space<vmem>>, %arg7: memref<4x32xi32, #tpu.memory_space<vmem>>, %arg8: memref<32x1024xf32, #tpu.memory_space<vmem>>, %arg9: memref<32x1024xf32, #tpu.memory_space<vmem>>, %arg10: memref<!tpu.dma_semaphore, #tpu.memory_space<semaphore_mem>>, %arg11: memref<!tpu.dma_semaphore, #tpu.memory_space<semaphore_mem>>, %arg12: memref<!tpu.dma_semaphore, #tpu.memory_space<semaphore_mem>>, %arg13: memref<!tpu.dma_semaphore, #tpu.memory_space<semaphore_mem>>) attributes {dimension_semantics = [#tpu.dimension_semantics<core_parallel>, #tpu.dimension_semantics<subcore_parallel>], iteration_bounds = array<i64: 2, 16>, scalar_prefetch = 0 : i64, scratch_operands = 8 : i64, tpu.core_type = #tpu.core_type<sc_vector_subcore>, window_params = [{transform_indices = #map}, {transform_indices = #map1}, {transform_indices = #map1}, {transform_indices = #map}]} {
    %mul3A = arith.constant 2 : i32
    %mul3A_0 = arith.muli %arg1, %mul3A : i32
    %add3A = arith.addi %mul3A_0, %arg0 : i32
    %mul3A_1 = arith.constant 128 : i32
    %mul3A_2 = arith.muli %add3A, %mul3A_1 : i32
    "tpu.region"() ({
      %run_scoped3A = tpu.sem_alloc : memref<!tpu.dma_semaphore, #tpu.memory_space<semaphore_mem>>
      %dma_start3A_153 = arith.constant 0 : i32
      %dma_start3A_154 = arith.constant 0 : i32
      %dma_start3A_155 = tpu.memref_slice %arg3[%add3A, %dma_start3A_153, %dma_start3A_154] : memref<32x4x32xi32, #tpu.memory_space<hbm>> -> memref<1x4x32xi32, #tpu.memory_space<hbm>>
      %dma_start3A_156 = tpu.memref_squeeze %dma_start3A_155 : memref<1x4x32xi32, #tpu.memory_space<hbm>> -> memref<4x32xi32, #tpu.memory_space<hbm>>
      %dma_start3A_157 = arith.constant 0 : i32
      %dma_start3A_158 = arith.constant 0 : i32
      %dma_start3A_159 = tpu.memref_slice %arg3[%add3A, %dma_start3A_157, %dma_start3A_158] : memref<32x4x32xi32, #tpu.memory_space<hbm>> -> memref<1x4x32xi32, #tpu.memory_space<hbm>>
      %dma_start3A_160 = tpu.memref_squeeze %dma_start3A_159 : memref<1x4x32xi32, #tpu.memory_space<hbm>> -> memref<4x32xi32, #tpu.memory_space<hbm>>
      tpu.enqueue_dma source(%dma_start3A_160 : memref<4x32xi32, #tpu.memory_space<hbm>>) target(%arg6 : memref<4x32xi32, #tpu.memory_space<vmem>>) target_semaphore(%run_scoped3A : memref<!tpu.dma_semaphore, #tpu.memory_space<semaphore_mem>>)
      %dma_wait3A_161 = arith.constant 0 : i32
      %dma_wait3A_162 = arith.constant 0 : i32
      %dma_wait3A_163 = tpu.memref_slice %arg3[%add3A, %dma_wait3A_161, %dma_wait3A_162] : memref<32x4x32xi32, #tpu.memory_space<hbm>> -> memref<1x4x32xi32, #tpu.memory_space<hbm>>
      %dma_wait3A_164 = tpu.memref_squeeze %dma_wait3A_163 : memref<1x4x32xi32, #tpu.memory_space<hbm>> -> memref<4x32xi32, #tpu.memory_space<hbm>>
      %dma_wait3A_165 = arith.constant 0 : i32
      %dma_wait3A_166 = arith.constant 0 : i32
      %dma_wait3A_167 = tpu.memref_slice %arg3[%add3A, %dma_wait3A_165, %dma_wait3A_166] : memref<32x4x32xi32, #tpu.memory_space<hbm>> -> memref<1x4x32xi32, #tpu.memory_space<hbm>>
      %dma_wait3A_168 = tpu.memref_squeeze %dma_wait3A_167 : memref<1x4x32xi32, #tpu.memory_space<hbm>> -> memref<4x32xi32, #tpu.memory_space<hbm>>
      tpu.wait_dma2 semaphore(%run_scoped3A : memref<!tpu.dma_semaphore, #tpu.memory_space<semaphore_mem>>) src(%dma_wait3A_168 : memref<4x32xi32, #tpu.memory_space<hbm>>) dst(%arg6 : memref<4x32xi32, #tpu.memory_space<vmem>>)
      tpu.yield
    }) : () -> ()
    "tpu.region"() ({
      %run_scoped3A = tpu.sem_alloc : memref<!tpu.dma_semaphore, #tpu.memory_space<semaphore_mem>>
      %dma_start3A_153 = arith.constant 0 : i32
      %dma_start3A_154 = arith.constant 0 : i32
      %dma_start3A_155 = tpu.memref_slice %arg4[%add3A, %dma_start3A_153, %dma_start3A_154] : memref<32x4x32xi32, #tpu.memory_space<hbm>> -> memref<1x4x32xi32, #tpu.memory_space<hbm>>
      %dma_start3A_156 = tpu.memref_squeeze %dma_start3A_155 : memref<1x4x32xi32, #tpu.memory_space<hbm>> -> memref<4x32xi32, #tpu.memory_space<hbm>>
      %dma_start3A_157 = arith.constant 0 : i32
      %dma_start3A_158 = arith.constant 0 : i32
      %dma_start3A_159 = tpu.memref_slice %arg4[%add3A, %dma_start3A_157, %dma_start3A_158] : memref<32x4x32xi32, #tpu.memory_space<hbm>> -> memref<1x4x32xi32, #tpu.memory_space<hbm>>
      %dma_start3A_160 = tpu.memref_squeeze %dma_start3A_159 : memref<1x4x32xi32, #tpu.memory_space<hbm>> -> memref<4x32xi32, #tpu.memory_space<hbm>>
      tpu.enqueue_dma source(%dma_start3A_160 : memref<4x32xi32, #tpu.memory_space<hbm>>) target(%arg7 : memref<4x32xi32, #tpu.memory_space<vmem>>) target_semaphore(%run_scoped3A : memref<!tpu.dma_semaphore, #tpu.memory_space<semaphore_mem>>)
      %dma_wait3A_161 = arith.constant 0 : i32
      %dma_wait3A_162 = arith.constant 0 : i32
      %dma_wait3A_163 = tpu.memref_slice %arg4[%add3A, %dma_wait3A_161, %dma_wait3A_162] : memref<32x4x32xi32, #tpu.memory_space<hbm>> -> memref<1x4x32xi32, #tpu.memory_space<hbm>>
      %dma_wait3A_164 = tpu.memref_squeeze %dma_wait3A_163 : memref<1x4x32xi32, #tpu.memory_space<hbm>> -> memref<4x32xi32, #tpu.memory_space<hbm>>
      %dma_wait3A_165 = arith.constant 0 : i32
      %dma_wait3A_166 = arith.constant 0 : i32
      %dma_wait3A_167 = tpu.memref_slice %arg4[%add3A, %dma_wait3A_165, %dma_wait3A_166] : memref<32x4x32xi32, #tpu.memory_space<hbm>> -> memref<1x4x32xi32, #tpu.memory_space<hbm>>
      %dma_wait3A_168 = tpu.memref_squeeze %dma_wait3A_167 : memref<1x4x32xi32, #tpu.memory_space<hbm>> -> memref<4x32xi32, #tpu.memory_space<hbm>>
      tpu.wait_dma2 semaphore(%run_scoped3A : memref<!tpu.dma_semaphore, #tpu.memory_space<semaphore_mem>>) src(%dma_wait3A_168 : memref<4x32xi32, #tpu.memory_space<hbm>>) dst(%arg7 : memref<4x32xi32, #tpu.memory_space<vmem>>)
      tpu.yield
    }) : () -> ()
    %add3A_3 = arith.constant 0 : i32
    %add3A_4 = arith.addi %mul3A_2, %add3A_3 : i32
    %dma_start3A = arith.constant 0 : i32
    %dma_start3A_5 = tpu.memref_slice %arg2[%add3A_4, %dma_start3A] : memref<4096x1024xf32, #tpu.memory_space<hbm>> -> memref<32x1024xf32, #tpu.memory_space<hbm>>
    %dma_start3A_6 = arith.constant 0 : i32
    %dma_start3A_7 = tpu.memref_slice %arg2[%add3A_4, %dma_start3A_6] : memref<4096x1024xf32, #tpu.memory_space<hbm>> -> memref<32x1024xf32, #tpu.memory_space<hbm>>
    tpu.enqueue_dma source(%dma_start3A_7 : memref<32x1024xf32, #tpu.memory_space<hbm>>) target(%arg8 : memref<32x1024xf32, #tpu.memory_space<vmem>>) target_semaphore(%arg10 : memref<!tpu.dma_semaphore, #tpu.memory_space<semaphore_mem>>)
    %add3A_8 = arith.constant 32 : i32
    %add3A_9 = arith.addi %mul3A_2, %add3A_8 : i32
    %dma_start3A_10 = arith.constant 0 : i32
    %dma_start3A_11 = tpu.memref_slice %arg2[%add3A_9, %dma_start3A_10] : memref<4096x1024xf32, #tpu.memory_space<hbm>> -> memref<32x1024xf32, #tpu.memory_space<hbm>>
    %dma_start3A_12 = arith.constant 0 : i32
    %dma_start3A_13 = tpu.memref_slice %arg2[%add3A_9, %dma_start3A_12] : memref<4096x1024xf32, #tpu.memory_space<hbm>> -> memref<32x1024xf32, #tpu.memory_space<hbm>>
    tpu.enqueue_dma source(%dma_start3A_13 : memref<32x1024xf32, #tpu.memory_space<hbm>>) target(%arg9 : memref<32x1024xf32, #tpu.memory_space<vmem>>) target_semaphore(%arg11 : memref<!tpu.dma_semaphore, #tpu.memory_space<semaphore_mem>>)
    %dma_wait3A = arith.constant 0 : i32
    %dma_wait3A_14 = tpu.memref_slice %arg2[%add3A_4, %dma_wait3A] : memref<4096x1024xf32, #tpu.memory_space<hbm>> -> memref<32x1024xf32, #tpu.memory_space<hbm>>
    %dma_wait3A_15 = arith.constant 0 : i32
    %dma_wait3A_16 = tpu.memref_slice %arg2[%add3A_4, %dma_wait3A_15] : memref<4096x1024xf32, #tpu.memory_space<hbm>> -> memref<32x1024xf32, #tpu.memory_space<hbm>>
    tpu.wait_dma2 semaphore(%arg10 : memref<!tpu.dma_semaphore, #tpu.memory_space<semaphore_mem>>) src(%dma_wait3A_16 : memref<32x1024xf32, #tpu.memory_space<hbm>>) dst(%arg8 : memref<32x1024xf32, #tpu.memory_space<vmem>>)
    %dma_start3A_17 = arith.constant 0 : i32
    %dma_start3A_18 = arith.constant 0 : i32
    %dma_start3A_19 = tpu.memref_slice %arg6[%dma_start3A_17, %dma_start3A_18] : memref<4x32xi32, #tpu.memory_space<vmem>> -> memref<1x32xi32, #tpu.memory_space<vmem>>
    %dma_start3A_20 = tpu.memref_squeeze %dma_start3A_19 : memref<1x32xi32, #tpu.memory_space<vmem>> -> memref<32xi32, #tpu.memory_space<vmem>>
    %dma_start3A_21 = arith.constant 0 : i32
    %dma_start3A_22 = arith.constant 0 : i32
    %dma_start3A_23 = tpu.memref_slice %arg5[%dma_start3A_21, %dma_start3A_22] : memref<10240x1024xf32, #tpu.memory_space<hbm>> -> memref<10240x1024xf32, #tpu.memory_space<hbm>>
    tpu.enqueue_indirect_dma source(%arg8 : memref<32x1024xf32, #tpu.memory_space<vmem>>) target(%dma_start3A_23 : memref<10240x1024xf32, #tpu.memory_space<hbm>>) offsets(%dma_start3A_20 : memref<32xi32, #tpu.memory_space<vmem>>) semaphore(%arg12 : memref<!tpu.dma_semaphore, #tpu.memory_space<semaphore_mem>>)
    %dma_start3A_24 = arith.constant 0 : i32
    %dma_start3A_25 = arith.constant 0 : i32
    %dma_start3A_26 = tpu.memref_slice %arg7[%dma_start3A_24, %dma_start3A_25] : memref<4x32xi32, #tpu.memory_space<vmem>> -> memref<1x32xi32, #tpu.memory_space<vmem>>
    %dma_start3A_27 = tpu.memref_squeeze %dma_start3A_26 : memref<1x32xi32, #tpu.memory_space<vmem>> -> memref<32xi32, #tpu.memory_space<vmem>>
    %dma_start3A_28 = arith.constant 0 : i32
    %dma_start3A_29 = arith.constant 0 : i32
    %dma_start3A_30 = tpu.memref_slice %arg5[%dma_start3A_28, %dma_start3A_29] : memref<10240x1024xf32, #tpu.memory_space<hbm>> -> memref<10240x1024xf32, #tpu.memory_space<hbm>>
    tpu.enqueue_indirect_dma source(%arg8 : memref<32x1024xf32, #tpu.memory_space<vmem>>) target(%dma_start3A_30 : memref<10240x1024xf32, #tpu.memory_space<hbm>>) offsets(%dma_start3A_27 : memref<32xi32, #tpu.memory_space<vmem>>) semaphore(%arg12 : memref<!tpu.dma_semaphore, #tpu.memory_space<semaphore_mem>>)
    %dma_wait3A_31 = arith.constant 0 : i32
    %dma_wait3A_32 = arith.constant 0 : i32
    %dma_wait3A_33 = tpu.memref_slice %arg6[%dma_wait3A_31, %dma_wait3A_32] : memref<4x32xi32, #tpu.memory_space<vmem>> -> memref<1x32xi32, #tpu.memory_space<vmem>>
    %dma_wait3A_34 = tpu.memref_squeeze %dma_wait3A_33 : memref<1x32xi32, #tpu.memory_space<vmem>> -> memref<32xi32, #tpu.memory_space<vmem>>
    %dma_wait3A_35 = arith.constant 0 : i32
    %dma_wait3A_36 = arith.constant 0 : i32
    %dma_wait3A_37 = tpu.memref_slice %arg5[%dma_wait3A_35, %dma_wait3A_36] : memref<10240x1024xf32, #tpu.memory_space<hbm>> -> memref<10240x1024xf32, #tpu.memory_space<hbm>>
    tpu.wait_indirect_dma semaphore(%arg12 : memref<!tpu.dma_semaphore, #tpu.memory_space<semaphore_mem>>) src(%arg8 : memref<32x1024xf32, #tpu.memory_space<vmem>>) dst(%dma_wait3A_37 : memref<10240x1024xf32, #tpu.memory_space<hbm>>)
    %dma_wait3A_38 = arith.constant 0 : i32
    %dma_wait3A_39 = arith.constant 0 : i32
    %dma_wait3A_40 = tpu.memref_slice %arg7[%dma_wait3A_38, %dma_wait3A_39] : memref<4x32xi32, #tpu.memory_space<vmem>> -> memref<1x32xi32, #tpu.memory_space<vmem>>
    %dma_wait3A_41 = tpu.memref_squeeze %dma_wait3A_40 : memref<1x32xi32, #tpu.memory_space<vmem>> -> memref<32xi32, #tpu.memory_space<vmem>>
    %dma_wait3A_42 = arith.constant 0 : i32
    %dma_wait3A_43 = arith.constant 0 : i32
    %dma_wait3A_44 = tpu.memref_slice %arg5[%dma_wait3A_42, %dma_wait3A_43] : memref<10240x1024xf32, #tpu.memory_space<hbm>> -> memref<10240x1024xf32, #tpu.memory_space<hbm>>
    tpu.wait_indirect_dma semaphore(%arg12 : memref<!tpu.dma_semaphore, #tpu.memory_space<semaphore_mem>>) src(%arg8 : memref<32x1024xf32, #tpu.memory_space<vmem>>) dst(%dma_wait3A_44 : memref<10240x1024xf32, #tpu.memory_space<hbm>>)
    %add3A_45 = arith.constant 64 : i32
    %add3A_46 = arith.addi %mul3A_2, %add3A_45 : i32
    %dma_start3A_47 = arith.constant 0 : i32
    %dma_start3A_48 = tpu.memref_slice %arg2[%add3A_46, %dma_start3A_47] : memref<4096x1024xf32, #tpu.memory_space<hbm>> -> memref<32x1024xf32, #tpu.memory_space<hbm>>
    %dma_start3A_49 = arith.constant 0 : i32
    %dma_start3A_50 = tpu.memref_slice %arg2[%add3A_46, %dma_start3A_49] : memref<4096x1024xf32, #tpu.memory_space<hbm>> -> memref<32x1024xf32, #tpu.memory_space<hbm>>
    tpu.enqueue_dma source(%dma_start3A_50 : memref<32x1024xf32, #tpu.memory_space<hbm>>) target(%arg8 : memref<32x1024xf32, #tpu.memory_space<vmem>>) target_semaphore(%arg10 : memref<!tpu.dma_semaphore, #tpu.memory_space<semaphore_mem>>)
    %dma_wait3A_51 = arith.constant 0 : i32
    %dma_wait3A_52 = tpu.memref_slice %arg2[%add3A_9, %dma_wait3A_51] : memref<4096x1024xf32, #tpu.memory_space<hbm>> -> memref<32x1024xf32, #tpu.memory_space<hbm>>
    %dma_wait3A_53 = arith.constant 0 : i32
    %dma_wait3A_54 = tpu.memref_slice %arg2[%add3A_9, %dma_wait3A_53] : memref<4096x1024xf32, #tpu.memory_space<hbm>> -> memref<32x1024xf32, #tpu.memory_space<hbm>>
    tpu.wait_dma2 semaphore(%arg11 : memref<!tpu.dma_semaphore, #tpu.memory_space<semaphore_mem>>) src(%dma_wait3A_54 : memref<32x1024xf32, #tpu.memory_space<hbm>>) dst(%arg9 : memref<32x1024xf32, #tpu.memory_space<vmem>>)
    %dma_start3A_55 = arith.constant 1 : i32
    %dma_start3A_56 = arith.constant 0 : i32
    %dma_start3A_57 = tpu.memref_slice %arg6[%dma_start3A_55, %dma_start3A_56] : memref<4x32xi32, #tpu.memory_space<vmem>> -> memref<1x32xi32, #tpu.memory_space<vmem>>
    %dma_start3A_58 = tpu.memref_squeeze %dma_start3A_57 : memref<1x32xi32, #tpu.memory_space<vmem>> -> memref<32xi32, #tpu.memory_space<vmem>>
    %dma_start3A_59 = arith.constant 0 : i32
    %dma_start3A_60 = arith.constant 0 : i32
    %dma_start3A_61 = tpu.memref_slice %arg5[%dma_start3A_59, %dma_start3A_60] : memref<10240x1024xf32, #tpu.memory_space<hbm>> -> memref<10240x1024xf32, #tpu.memory_space<hbm>>
    tpu.enqueue_indirect_dma source(%arg9 : memref<32x1024xf32, #tpu.memory_space<vmem>>) target(%dma_start3A_61 : memref<10240x1024xf32, #tpu.memory_space<hbm>>) offsets(%dma_start3A_58 : memref<32xi32, #tpu.memory_space<vmem>>) semaphore(%arg13 : memref<!tpu.dma_semaphore, #tpu.memory_space<semaphore_mem>>)
    %dma_start3A_62 = arith.constant 1 : i32
    %dma_start3A_63 = arith.constant 0 : i32
    %dma_start3A_64 = tpu.memref_slice %arg7[%dma_start3A_62, %dma_start3A_63] : memref<4x32xi32, #tpu.memory_space<vmem>> -> memref<1x32xi32, #tpu.memory_space<vmem>>
    %dma_start3A_65 = tpu.memref_squeeze %dma_start3A_64 : memref<1x32xi32, #tpu.memory_space<vmem>> -> memref<32xi32, #tpu.memory_space<vmem>>
    %dma_start3A_66 = arith.constant 0 : i32
    %dma_start3A_67 = arith.constant 0 : i32
    %dma_start3A_68 = tpu.memref_slice %arg5[%dma_start3A_66, %dma_start3A_67] : memref<10240x1024xf32, #tpu.memory_space<hbm>> -> memref<10240x1024xf32, #tpu.memory_space<hbm>>
    tpu.enqueue_indirect_dma source(%arg9 : memref<32x1024xf32, #tpu.memory_space<vmem>>) target(%dma_start3A_68 : memref<10240x1024xf32, #tpu.memory_space<hbm>>) offsets(%dma_start3A_65 : memref<32xi32, #tpu.memory_space<vmem>>) semaphore(%arg13 : memref<!tpu.dma_semaphore, #tpu.memory_space<semaphore_mem>>)
    %dma_wait3A_69 = arith.constant 1 : i32
    %dma_wait3A_70 = arith.constant 0 : i32
    %dma_wait3A_71 = tpu.memref_slice %arg6[%dma_wait3A_69, %dma_wait3A_70] : memref<4x32xi32, #tpu.memory_space<vmem>> -> memref<1x32xi32, #tpu.memory_space<vmem>>
    %dma_wait3A_72 = tpu.memref_squeeze %dma_wait3A_71 : memref<1x32xi32, #tpu.memory_space<vmem>> -> memref<32xi32, #tpu.memory_space<vmem>>
    %dma_wait3A_73 = arith.constant 0 : i32
    %dma_wait3A_74 = arith.constant 0 : i32
    %dma_wait3A_75 = tpu.memref_slice %arg5[%dma_wait3A_73, %dma_wait3A_74] : memref<10240x1024xf32, #tpu.memory_space<hbm>> -> memref<10240x1024xf32, #tpu.memory_space<hbm>>
    tpu.wait_indirect_dma semaphore(%arg13 : memref<!tpu.dma_semaphore, #tpu.memory_space<semaphore_mem>>) src(%arg9 : memref<32x1024xf32, #tpu.memory_space<vmem>>) dst(%dma_wait3A_75 : memref<10240x1024xf32, #tpu.memory_space<hbm>>)
    %dma_wait3A_76 = arith.constant 1 : i32
    %dma_wait3A_77 = arith.constant 0 : i32
    %dma_wait3A_78 = tpu.memref_slice %arg7[%dma_wait3A_76, %dma_wait3A_77] : memref<4x32xi32, #tpu.memory_space<vmem>> -> memref<1x32xi32, #tpu.memory_space<vmem>>
    %dma_wait3A_79 = tpu.memref_squeeze %dma_wait3A_78 : memref<1x32xi32, #tpu.memory_space<vmem>> -> memref<32xi32, #tpu.memory_space<vmem>>
    %dma_wait3A_80 = arith.constant 0 : i32
    %dma_wait3A_81 = arith.constant 0 : i32
    %dma_wait3A_82 = tpu.memref_slice %arg5[%dma_wait3A_80, %dma_wait3A_81] : memref<10240x1024xf32, #tpu.memory_space<hbm>> -> memref<10240x1024xf32, #tpu.memory_space<hbm>>
    tpu.wait_indirect_dma semaphore(%arg13 : memref<!tpu.dma_semaphore, #tpu.memory_space<semaphore_mem>>) src(%arg9 : memref<32x1024xf32, #tpu.memory_space<vmem>>) dst(%dma_wait3A_82 : memref<10240x1024xf32, #tpu.memory_space<hbm>>)
    %add3A_83 = arith.constant 96 : i32
    %add3A_84 = arith.addi %mul3A_2, %add3A_83 : i32
    %dma_start3A_85 = arith.constant 0 : i32
    %dma_start3A_86 = tpu.memref_slice %arg2[%add3A_84, %dma_start3A_85] : memref<4096x1024xf32, #tpu.memory_space<hbm>> -> memref<32x1024xf32, #tpu.memory_space<hbm>>
    %dma_start3A_87 = arith.constant 0 : i32
    %dma_start3A_88 = tpu.memref_slice %arg2[%add3A_84, %dma_start3A_87] : memref<4096x1024xf32, #tpu.memory_space<hbm>> -> memref<32x1024xf32, #tpu.memory_space<hbm>>
    tpu.enqueue_dma source(%dma_start3A_88 : memref<32x1024xf32, #tpu.memory_space<hbm>>) target(%arg9 : memref<32x1024xf32, #tpu.memory_space<vmem>>) target_semaphore(%arg11 : memref<!tpu.dma_semaphore, #tpu.memory_space<semaphore_mem>>)
    %dma_wait3A_89 = arith.constant 0 : i32
    %dma_wait3A_90 = tpu.memref_slice %arg2[%add3A_46, %dma_wait3A_89] : memref<4096x1024xf32, #tpu.memory_space<hbm>> -> memref<32x1024xf32, #tpu.memory_space<hbm>>
    %dma_wait3A_91 = arith.constant 0 : i32
    %dma_wait3A_92 = tpu.memref_slice %arg2[%add3A_46, %dma_wait3A_91] : memref<4096x1024xf32, #tpu.memory_space<hbm>> -> memref<32x1024xf32, #tpu.memory_space<hbm>>
    tpu.wait_dma2 semaphore(%arg10 : memref<!tpu.dma_semaphore, #tpu.memory_space<semaphore_mem>>) src(%dma_wait3A_92 : memref<32x1024xf32, #tpu.memory_space<hbm>>) dst(%arg8 : memref<32x1024xf32, #tpu.memory_space<vmem>>)
    %dma_start3A_93 = arith.constant 2 : i32
    %dma_start3A_94 = arith.constant 0 : i32
    %dma_start3A_95 = tpu.memref_slice %arg6[%dma_start3A_93, %dma_start3A_94] : memref<4x32xi32, #tpu.memory_space<vmem>> -> memref<1x32xi32, #tpu.memory_space<vmem>>
    %dma_start3A_96 = tpu.memref_squeeze %dma_start3A_95 : memref<1x32xi32, #tpu.memory_space<vmem>> -> memref<32xi32, #tpu.memory_space<vmem>>
    %dma_start3A_97 = arith.constant 0 : i32
    %dma_start3A_98 = arith.constant 0 : i32
    %dma_start3A_99 = tpu.memref_slice %arg5[%dma_start3A_97, %dma_start3A_98] : memref<10240x1024xf32, #tpu.memory_space<hbm>> -> memref<10240x1024xf32, #tpu.memory_space<hbm>>
    tpu.enqueue_indirect_dma source(%arg8 : memref<32x1024xf32, #tpu.memory_space<vmem>>) target(%dma_start3A_99 : memref<10240x1024xf32, #tpu.memory_space<hbm>>) offsets(%dma_start3A_96 : memref<32xi32, #tpu.memory_space<vmem>>) semaphore(%arg12 : memref<!tpu.dma_semaphore, #tpu.memory_space<semaphore_mem>>)
    %dma_start3A_100 = arith.constant 2 : i32
    %dma_start3A_101 = arith.constant 0 : i32
    %dma_start3A_102 = tpu.memref_slice %arg7[%dma_start3A_100, %dma_start3A_101] : memref<4x32xi32, #tpu.memory_space<vmem>> -> memref<1x32xi32, #tpu.memory_space<vmem>>
    %dma_start3A_103 = tpu.memref_squeeze %dma_start3A_102 : memref<1x32xi32, #tpu.memory_space<vmem>> -> memref<32xi32, #tpu.memory_space<vmem>>
    %dma_start3A_104 = arith.constant 0 : i32
    %dma_start3A_105 = arith.constant 0 : i32
    %dma_start3A_106 = tpu.memref_slice %arg5[%dma_start3A_104, %dma_start3A_105] : memref<10240x1024xf32, #tpu.memory_space<hbm>> -> memref<10240x1024xf32, #tpu.memory_space<hbm>>
    tpu.enqueue_indirect_dma source(%arg8 : memref<32x1024xf32, #tpu.memory_space<vmem>>) target(%dma_start3A_106 : memref<10240x1024xf32, #tpu.memory_space<hbm>>) offsets(%dma_start3A_103 : memref<32xi32, #tpu.memory_space<vmem>>) semaphore(%arg12 : memref<!tpu.dma_semaphore, #tpu.memory_space<semaphore_mem>>)
    %dma_wait3A_107 = arith.constant 0 : i32
    %dma_wait3A_108 = tpu.memref_slice %arg2[%add3A_84, %dma_wait3A_107] : memref<4096x1024xf32, #tpu.memory_space<hbm>> -> memref<32x1024xf32, #tpu.memory_space<hbm>>
    %dma_wait3A_109 = arith.constant 0 : i32
    %dma_wait3A_110 = tpu.memref_slice %arg2[%add3A_84, %dma_wait3A_109] : memref<4096x1024xf32, #tpu.memory_space<hbm>> -> memref<32x1024xf32, #tpu.memory_space<hbm>>
    tpu.wait_dma2 semaphore(%arg11 : memref<!tpu.dma_semaphore, #tpu.memory_space<semaphore_mem>>) src(%dma_wait3A_110 : memref<32x1024xf32, #tpu.memory_space<hbm>>) dst(%arg9 : memref<32x1024xf32, #tpu.memory_space<vmem>>)
    %dma_start3A_111 = arith.constant 3 : i32
    %dma_start3A_112 = arith.constant 0 : i32
    %dma_start3A_113 = tpu.memref_slice %arg6[%dma_start3A_111, %dma_start3A_112] : memref<4x32xi32, #tpu.memory_space<vmem>> -> memref<1x32xi32, #tpu.memory_space<vmem>>
    %dma_start3A_114 = tpu.memref_squeeze %dma_start3A_113 : memref<1x32xi32, #tpu.memory_space<vmem>> -> memref<32xi32, #tpu.memory_space<vmem>>
    %dma_start3A_115 = arith.constant 0 : i32
    %dma_start3A_116 = arith.constant 0 : i32
    %dma_start3A_117 = tpu.memref_slice %arg5[%dma_start3A_115, %dma_start3A_116] : memref<10240x1024xf32, #tpu.memory_space<hbm>> -> memref<10240x1024xf32, #tpu.memory_space<hbm>>
    tpu.enqueue_indirect_dma source(%arg9 : memref<32x1024xf32, #tpu.memory_space<vmem>>) target(%dma_start3A_117 : memref<10240x1024xf32, #tpu.memory_space<hbm>>) offsets(%dma_start3A_114 : memref<32xi32, #tpu.memory_space<vmem>>) semaphore(%arg13 : memref<!tpu.dma_semaphore, #tpu.memory_space<semaphore_mem>>)
    %dma_start3A_118 = arith.constant 3 : i32
    %dma_start3A_119 = arith.constant 0 : i32
    %dma_start3A_120 = tpu.memref_slice %arg7[%dma_start3A_118, %dma_start3A_119] : memref<4x32xi32, #tpu.memory_space<vmem>> -> memref<1x32xi32, #tpu.memory_space<vmem>>
    %dma_start3A_121 = tpu.memref_squeeze %dma_start3A_120 : memref<1x32xi32, #tpu.memory_space<vmem>> -> memref<32xi32, #tpu.memory_space<vmem>>
    %dma_start3A_122 = arith.constant 0 : i32
    %dma_start3A_123 = arith.constant 0 : i32
    %dma_start3A_124 = tpu.memref_slice %arg5[%dma_start3A_122, %dma_start3A_123] : memref<10240x1024xf32, #tpu.memory_space<hbm>> -> memref<10240x1024xf32, #tpu.memory_space<hbm>>
    tpu.enqueue_indirect_dma source(%arg9 : memref<32x1024xf32, #tpu.memory_space<vmem>>) target(%dma_start3A_124 : memref<10240x1024xf32, #tpu.memory_space<hbm>>) offsets(%dma_start3A_121 : memref<32xi32, #tpu.memory_space<vmem>>) semaphore(%arg13 : memref<!tpu.dma_semaphore, #tpu.memory_space<semaphore_mem>>)
    %dma_wait3A_125 = arith.constant 3 : i32
    %dma_wait3A_126 = arith.constant 0 : i32
    %dma_wait3A_127 = tpu.memref_slice %arg6[%dma_wait3A_125, %dma_wait3A_126] : memref<4x32xi32, #tpu.memory_space<vmem>> -> memref<1x32xi32, #tpu.memory_space<vmem>>
    %dma_wait3A_128 = tpu.memref_squeeze %dma_wait3A_127 : memref<1x32xi32, #tpu.memory_space<vmem>> -> memref<32xi32, #tpu.memory_space<vmem>>
    %dma_wait3A_129 = arith.constant 0 : i32
    %dma_wait3A_130 = arith.constant 0 : i32
    %dma_wait3A_131 = tpu.memref_slice %arg5[%dma_wait3A_129, %dma_wait3A_130] : memref<10240x1024xf32, #tpu.memory_space<hbm>> -> memref<10240x1024xf32, #tpu.memory_space<hbm>>
    tpu.wait_indirect_dma semaphore(%arg13 : memref<!tpu.dma_semaphore, #tpu.memory_space<semaphore_mem>>) src(%arg9 : memref<32x1024xf32, #tpu.memory_space<vmem>>) dst(%dma_wait3A_131 : memref<10240x1024xf32, #tpu.memory_space<hbm>>)
    %dma_wait3A_132 = arith.constant 3 : i32
    %dma_wait3A_133 = arith.constant 0 : i32
    %dma_wait3A_134 = tpu.memref_slice %arg7[%dma_wait3A_132, %dma_wait3A_133] : memref<4x32xi32, #tpu.memory_space<vmem>> -> memref<1x32xi32, #tpu.memory_space<vmem>>
    %dma_wait3A_135 = tpu.memref_squeeze %dma_wait3A_134 : memref<1x32xi32, #tpu.memory_space<vmem>> -> memref<32xi32, #tpu.memory_space<vmem>>
    %dma_wait3A_136 = arith.constant 0 : i32
    %dma_wait3A_137 = arith.constant 0 : i32
    %dma_wait3A_138 = tpu.memref_slice %arg5[%dma_wait3A_136, %dma_wait3A_137] : memref<10240x1024xf32, #tpu.memory_space<hbm>> -> memref<10240x1024xf32, #tpu.memory_space<hbm>>
    tpu.wait_indirect_dma semaphore(%arg13 : memref<!tpu.dma_semaphore, #tpu.memory_space<semaphore_mem>>) src(%arg9 : memref<32x1024xf32, #tpu.memory_space<vmem>>) dst(%dma_wait3A_138 : memref<10240x1024xf32, #tpu.memory_space<hbm>>)
    %dma_wait3A_139 = arith.constant 2 : i32
    %dma_wait3A_140 = arith.constant 0 : i32
    %dma_wait3A_141 = tpu.memref_slice %arg6[%dma_wait3A_139, %dma_wait3A_140] : memref<4x32xi32, #tpu.memory_space<vmem>> -> memref<1x32xi32, #tpu.memory_space<vmem>>
    %dma_wait3A_142 = tpu.memref_squeeze %dma_wait3A_141 : memref<1x32xi32, #tpu.memory_space<vmem>> -> memref<32xi32, #tpu.memory_space<vmem>>
    %dma_wait3A_143 = arith.constant 0 : i32
    %dma_wait3A_144 = arith.constant 0 : i32
    %dma_wait3A_145 = tpu.memref_slice %arg5[%dma_wait3A_143, %dma_wait3A_144] : memref<10240x1024xf32, #tpu.memory_space<hbm>> -> memref<10240x1024xf32, #tpu.memory_space<hbm>>
    tpu.wait_indirect_dma semaphore(%arg12 : memref<!tpu.dma_semaphore, #tpu.memory_space<semaphore_mem>>) src(%arg8 : memref<32x1024xf32, #tpu.memory_space<vmem>>) dst(%dma_wait3A_145 : memref<10240x1024xf32, #tpu.memory_space<hbm>>)
    %dma_wait3A_146 = arith.constant 2 : i32
    %dma_wait3A_147 = arith.constant 0 : i32
    %dma_wait3A_148 = tpu.memref_slice %arg7[%dma_wait3A_146, %dma_wait3A_147] : memref<4x32xi32, #tpu.memory_space<vmem>> -> memref<1x32xi32, #tpu.memory_space<vmem>>
    %dma_wait3A_149 = tpu.memref_squeeze %dma_wait3A_148 : memref<1x32xi32, #tpu.memory_space<vmem>> -> memref<32xi32, #tpu.memory_space<vmem>>
    %dma_wait3A_150 = arith.constant 0 : i32
    %dma_wait3A_151 = arith.constant 0 : i32
    %dma_wait3A_152 = tpu.memref_slice %arg5[%dma_wait3A_150, %dma_wait3A_151] : memref<10240x1024xf32, #tpu.memory_space<hbm>> -> memref<10240x1024xf32, #tpu.memory_space<hbm>>
    tpu.wait_indirect_dma semaphore(%arg12 : memref<!tpu.dma_semaphore, #tpu.memory_space<semaphore_mem>>) src(%arg8 : memref<32x1024xf32, #tpu.memory_space<vmem>>) dst(%dma_wait3A_152 : memref<10240x1024xf32, #tpu.memory_space<hbm>>)
    return
  }
}

module attributes {stable_mosaic.version = 14 : i64} {
  func.func @_gate_kernel(%arg0: i32, %arg1: i32, %arg2: memref<512x8xf32, #tpu.memory_space<vmem>>, %arg3: memref<512x2xf32, #tpu.memory_space<vmem>>, %arg4: memref<512x1xi32, #tpu.memory_space<vmem>>, %arg5: memref<512x1xi32, #tpu.memory_space<vmem>>, %arg6: memref<1x64xi32, #tpu.memory_space<vmem>>, %arg7: memref<4096x8xf32, #tpu.memory_space<vmem>>, %arg8: memref<1x8xf32, #tpu.memory_space<vmem>>, %arg9: memref<512x512xf32, #tpu.memory_space<vmem>>) attributes {dimension_semantics = [#tpu.dimension_semantics<arbitrary>, #tpu.dimension_semantics<arbitrary>], iteration_bounds = array<i64: 2, 8>, scalar_prefetch = 0 : i64, scratch_operands = 3 : i64, tpu.core_type = #tpu.core_type<tc>, window_params = [{transform_indices = @transform_0, window_bounds = array<i64: 512, 8>}, {transform_indices = @transform_1, window_bounds = array<i64: 512, 2>}, {transform_indices = @transform_2, window_bounds = array<i64: 512, 1>}, {transform_indices = @transform_3, window_bounds = array<i64: 512, 1>}, {pipeline_mode = #tpu.pipeline_mode<synchronous>, transform_indices = @transform_4, window_bounds = array<i64: 1, 64>}]} {
    %get3A = arith.constant 0 : index
    %get3A_0 = arith.constant 0 : index
    %get3A_1 = vector.load %arg2[%get3A, %get3A_0] : memref<512x8xf32, #tpu.memory_space<vmem>>, vector<512x8xf32>
    %iota3A = tpu.iota {dimensions = array<i32: 1>} : vector<512x8xi32>
    %reduce_max3A = arith.constant dense<0xFF800000> : vector<512xf32>
    %reduce_max3A_2 = vector.multi_reduction <maximumf>, %get3A_1, %reduce_max3A [1] : vector<512x8xf32> to vector<512xf32>
    %broadcast_in_dim3A = vector.shape_cast %reduce_max3A_2 : vector<512xf32> to vector<512x1xf32>
    %eq3A = vector.broadcast %broadcast_in_dim3A : vector<512x1xf32> to vector<512x8xf32>
    %eq3A_3 = arith.cmpf oeq, %get3A_1, %eq3A : vector<512x8xf32>
    %jit3A = arith.constant 8 : i32
    %broadcast_in_dim3A_4 = vector.broadcast %jit3A : i32 to vector<512x8xi32>
    %select_n3A = arith.select %eq3A_3, %iota3A, %broadcast_in_dim3A_4 : vector<512x8xi1>, vector<512x8xi32>
    %reduce_min3A = arith.constant dense<2147483647> : vector<512xi32>
    %reduce_min3A_5 = vector.multi_reduction <minsi>, %select_n3A, %reduce_min3A [1] : vector<512x8xi32> to vector<512xi32>
    %broadcast_in_dim3A_6 = vector.shape_cast %reduce_min3A_5 : vector<512xi32> to vector<512x1xi32>
    %eq3A_7 = vector.broadcast %broadcast_in_dim3A_6 : vector<512x1xi32> to vector<512x8xi32>
    %eq3A_8 = arith.cmpi eq, %iota3A, %eq3A_7 : vector<512x8xi32>
    %jit3A_9 = arith.constant 0xFF800000 : f32
    %broadcast_in_dim3A_10 = vector.broadcast %jit3A_9 : f32 to vector<512x8xf32>
    %select_n3A_11 = arith.select %eq3A_8, %broadcast_in_dim3A_10, %get3A_1 : vector<512x8xi1>, vector<512x8xf32>
    %reduce_max3A_12 = arith.constant dense<0xFF800000> : vector<512xf32>
    %reduce_max3A_13 = vector.multi_reduction <maximumf>, %select_n3A_11, %reduce_max3A_12 [1] : vector<512x8xf32> to vector<512xf32>
    %broadcast_in_dim3A_14 = vector.shape_cast %reduce_max3A_13 : vector<512xf32> to vector<512x1xf32>
    %eq3A_15 = vector.broadcast %broadcast_in_dim3A_14 : vector<512x1xf32> to vector<512x8xf32>
    %eq3A_16 = arith.cmpf oeq, %select_n3A_11, %eq3A_15 : vector<512x8xf32>
    %jit3A_17 = arith.constant 8 : i32
    %broadcast_in_dim3A_18 = vector.broadcast %jit3A_17 : i32 to vector<512x8xi32>
    %select_n3A_19 = arith.select %eq3A_16, %iota3A, %broadcast_in_dim3A_18 : vector<512x8xi1>, vector<512x8xi32>
    %reduce_min3A_20 = arith.constant dense<2147483647> : vector<512xi32>
    %reduce_min3A_21 = vector.multi_reduction <minsi>, %select_n3A_19, %reduce_min3A_20 [1] : vector<512x8xi32> to vector<512xi32>
    %broadcast_in_dim3A_22 = vector.shape_cast %reduce_min3A_21 : vector<512xi32> to vector<512x1xi32>
    %eq3A_23 = vector.broadcast %broadcast_in_dim3A_6 : vector<512x1xi32> to vector<512x8xi32>
    %eq3A_24 = arith.cmpi eq, %iota3A, %eq3A_23 : vector<512x8xi32>
    %eq3A_25 = vector.broadcast %broadcast_in_dim3A_22 : vector<512x1xi32> to vector<512x8xi32>
    %eq3A_26 = arith.cmpi eq, %iota3A, %eq3A_25 : vector<512x8xi32>
    %or3A = arith.ori %eq3A_24, %eq3A_26 : vector<512x8xi1>
    %convert_element_type3A = arith.extui %or3A : vector<512x8xi1> to vector<512x8xi32>
    %convert_element_type3A_27 = arith.sitofp %convert_element_type3A : vector<512x8xi32> to vector<512x8xf32>
    %eq3A_28 = arith.constant 0 : i32
    %eq3A_29 = arith.cmpi eq, %arg0, %eq3A_28 : i32
    %convert_element_type3A_30 = arith.extui %eq3A_29 : i1 to i32
    %cond3A = arith.constant 0 : i32
    %cond3A_31 = arith.cmpi ne, %convert_element_type3A_30, %cond3A : i32
    scf.if %cond3A_31 {
      %eq3A_37 = arith.constant 0 : i32
      %eq3A_38 = arith.cmpi eq, %arg1, %eq3A_37 : i32
      %convert_element_type3A_39 = arith.extui %eq3A_38 : i1 to i32
      %cond3A_40 = arith.constant 0 : i32
      %cond3A_41 = arith.cmpi ne, %convert_element_type3A_39, %cond3A_40 : i32
      scf.if %cond3A_41 {
        %broadcast_in_dim3A_62 = arith.constant 0.000000e+00 : f32
        %broadcast_in_dim3A_63 = vector.broadcast %broadcast_in_dim3A_62 : f32 to vector<1x8xf32>
        %swap3A_64 = arith.constant 0 : index
        %swap3A_65 = arith.constant 0 : index
        %swap3A_66 = vector.load %arg8[%swap3A_64, %swap3A_65] : memref<1x8xf32, #tpu.memory_space<vmem>>, vector<1x8xf32>
        tpu.vector_store %arg8[%swap3A_64, %swap3A_65], %broadcast_in_dim3A_63 {strides = array<i32>} : memref<1x8xf32, #tpu.memory_space<vmem>>, vector<1x8xf32>,
        %iota3A_67 = tpu.iota {dimensions = array<i32: 0>} : vector<512x512xi32>
        %iota3A_68 = tpu.iota {dimensions = array<i32: 1>} : vector<512x512xi32>
        %lt3A = arith.cmpi slt, %iota3A_68, %iota3A_67 : vector<512x512xi32>
        %convert_element_type3A_69 = arith.extui %lt3A : vector<512x512xi1> to vector<512x512xi32>
        %convert_element_type3A_70 = arith.sitofp %convert_element_type3A_69 : vector<512x512xi32> to vector<512x512xf32>
        %swap3A_71 = arith.constant 0 : index
        %swap3A_72 = arith.constant 0 : index
        %swap3A_73 = vector.load %arg9[%swap3A_71, %swap3A_72] : memref<512x512xf32, #tpu.memory_space<vmem>>, vector<512x512xf32>
        tpu.vector_store %arg9[%swap3A_71, %swap3A_72], %convert_element_type3A_70 {strides = array<i32>} : memref<512x512xf32, #tpu.memory_space<vmem>>, vector<512x512xf32>,
      } else {
      }
      %get3A_42 = arith.constant 0 : index
      %get3A_43 = arith.constant 0 : index
      %get3A_44 = vector.load %arg9[%get3A_42, %get3A_43] : memref<512x512xf32, #tpu.memory_space<vmem>>, vector<512x512xf32>
      %dot_general3A = arith.constant dense<0.000000e+00> : vector<512x8xf32>
      %dot_general3A_45 = tpu.matmul %get3A_44, %convert_element_type3A_27, %dot_general3A {dimension_numbers = #tpu.dot_dimension_numbers<[1], [0], [0], [1], [0, 0, 1, 1], [], []>, transpose_lhs_hint = false} : vector<512x512xf32>, vector<512x8xf32>, vector<512x8xf32> -> vector<512x8xf32>
      %get3A_46 = arith.constant 0 : index
      %get3A_47 = arith.constant 0 : index
      %get3A_48 = vector.load %arg8[%get3A_46, %get3A_47] : memref<1x8xf32, #tpu.memory_space<vmem>>, vector<1x8xf32>
      %add3A = vector.broadcast %get3A_48 : vector<1x8xf32> to vector<512x8xf32>
      %add3A_49 = arith.addf %dot_general3A_45, %add3A : vector<512x8xf32>
      %mul3A = arith.constant 512 : i32
      %mul3A_50 = arith.muli %arg1, %mul3A : i32
      %swap3A = arith.index_cast %mul3A_50 : i32 to index
      %swap3A_51 = arith.constant 0 : index
      %swap3A_52 = vector.load %arg7[%swap3A, %swap3A_51] : memref<4096x8xf32, #tpu.memory_space<vmem>>, vector<512x8xf32>
      tpu.vector_store %arg7[%swap3A, %swap3A_51], %add3A_49 {strides = array<i32>} : memref<4096x8xf32, #tpu.memory_space<vmem>>, vector<512x8xf32>,
      %get3A_53 = arith.constant 0 : index
      %get3A_54 = arith.constant 0 : index
      %get3A_55 = vector.load %arg8[%get3A_53, %get3A_54] : memref<1x8xf32, #tpu.memory_space<vmem>>, vector<1x8xf32>
      %reduce_sum3A = arith.constant dense<0.000000e+00> : vector<8xf32>
      %reduce_sum3A_56 = vector.multi_reduction <add>, %convert_element_type3A_27, %reduce_sum3A [0] : vector<512x8xf32> to vector<8xf32>
      %broadcast_in_dim3A_57 = vector.shape_cast %reduce_sum3A_56 : vector<8xf32> to vector<1x8xf32>
      %add3A_58 = arith.addf %get3A_55, %broadcast_in_dim3A_57 : vector<1x8xf32>
      %swap3A_59 = arith.constant 0 : index
      %swap3A_60 = arith.constant 0 : index
      %swap3A_61 = vector.load %arg8[%swap3A_59, %swap3A_60] : memref<1x8xf32, #tpu.memory_space<vmem>>, vector<1x8xf32>
      tpu.vector_store %arg8[%swap3A_59, %swap3A_60], %add3A_58 {strides = array<i32>} : memref<1x8xf32, #tpu.memory_space<vmem>>, vector<1x8xf32>,
    } else {
    }
    %eq3A_32 = arith.constant 1 : i32
    %eq3A_33 = arith.cmpi eq, %arg0, %eq3A_32 : i32
    %convert_element_type3A_34 = arith.extui %eq3A_33 : i1 to i32
    %cond3A_35 = arith.constant 0 : i32
    %cond3A_36 = arith.cmpi ne, %convert_element_type3A_34, %cond3A_35 : i32
    scf.if %cond3A_36 {
      %sub3A = vector.broadcast %broadcast_in_dim3A : vector<512x1xf32> to vector<512x8xf32>
      %sub3A_37 = arith.subf %get3A_1, %sub3A : vector<512x8xf32>
      %exp3A = math.exp %sub3A_37 : vector<512x8xf32>
      %reduce_sum3A = arith.constant dense<0.000000e+00> : vector<512xf32>
      %reduce_sum3A_38 = vector.multi_reduction <add>, %exp3A, %reduce_sum3A [1] : vector<512x8xf32> to vector<512xf32>
      %broadcast_in_dim3A_39 = vector.shape_cast %reduce_sum3A_38 : vector<512xf32> to vector<512x1xf32>
      %div3A = vector.broadcast %broadcast_in_dim3A_39 : vector<512x1xf32> to vector<512x8xf32>
      %div3A_40 = arith.divf %exp3A, %div3A : vector<512x8xf32>
      %eq3A_41 = vector.broadcast %broadcast_in_dim3A_6 : vector<512x1xi32> to vector<512x8xi32>
      %eq3A_42 = arith.cmpi eq, %iota3A, %eq3A_41 : vector<512x8xi32>
      %jit3A_43 = arith.constant 0.000000e+00 : f32
      %broadcast_in_dim3A_44 = vector.broadcast %jit3A_43 : f32 to vector<512x8xf32>
      %select_n3A_45 = arith.select %eq3A_42, %div3A_40, %broadcast_in_dim3A_44 : vector<512x8xi1>, vector<512x8xf32>
      %reduce_sum3A_46 = arith.constant dense<0.000000e+00> : vector<512xf32>
      %reduce_sum3A_47 = vector.multi_reduction <add>, %select_n3A_45, %reduce_sum3A_46 [1] : vector<512x8xf32> to vector<512xf32>
      %broadcast_in_dim3A_48 = vector.shape_cast %reduce_sum3A_47 : vector<512xf32> to vector<512x1xf32>
      %eq3A_49 = vector.broadcast %broadcast_in_dim3A_22 : vector<512x1xi32> to vector<512x8xi32>
      %eq3A_50 = arith.cmpi eq, %iota3A, %eq3A_49 : vector<512x8xi32>
      %jit3A_51 = arith.constant 0.000000e+00 : f32
      %broadcast_in_dim3A_52 = vector.broadcast %jit3A_51 : f32 to vector<512x8xf32>
      %select_n3A_53 = arith.select %eq3A_50, %div3A_40, %broadcast_in_dim3A_52 : vector<512x8xi1>, vector<512x8xf32>
      %reduce_sum3A_54 = arith.constant dense<0.000000e+00> : vector<512xf32>
      %reduce_sum3A_55 = vector.multi_reduction <add>, %select_n3A_53, %reduce_sum3A_54 [1] : vector<512x8xf32> to vector<512xf32>
      %broadcast_in_dim3A_56 = vector.shape_cast %reduce_sum3A_55 : vector<512xf32> to vector<512x1xf32>
      %concatenate3A = tpu.concatenate %broadcast_in_dim3A_48, %broadcast_in_dim3A_56 in 1 : vector<512x1xf32>, vector<512x1xf32> -> vector<512x2xf32>
      %swap3A = arith.constant 0 : index
      %swap3A_57 = arith.constant 0 : index
      %swap3A_58 = vector.load %arg3[%swap3A, %swap3A_57] : memref<512x2xf32, #tpu.memory_space<vmem>>, vector<512x2xf32>
      tpu.vector_store %arg3[%swap3A, %swap3A_57], %concatenate3A {strides = array<i32>} : memref<512x2xf32, #tpu.memory_space<vmem>>, vector<512x2xf32>,
      %get3A_59 = arith.constant 0 : index
      %get3A_60 = arith.constant 0 : index
      %get3A_61 = vector.load %arg8[%get3A_59, %get3A_60] : memref<1x8xf32, #tpu.memory_space<vmem>>, vector<1x8xf32>
      %mul3A = arith.constant 3.906250e-03 : f32
      %mul3A_62 = vector.broadcast %mul3A : f32 to vector<1x8xf32>
      %mul3A_63 = arith.mulf %get3A_61, %mul3A_62 : vector<1x8xf32>
      %ceil3A = math.ceil %mul3A_63 : vector<1x8xf32>
      %mul3A_64 = arith.constant 2.560000e+02 : f32
      %mul3A_65 = vector.broadcast %mul3A_64 : f32 to vector<1x8xf32>
      %mul3A_66 = arith.mulf %ceil3A, %mul3A_65 : vector<1x8xf32>
      %iota3A_67 = tpu.iota {dimensions = array<i32: 0>} : vector<8x8xi32>
      %iota3A_68 = tpu.iota {dimensions = array<i32: 1>} : vector<8x8xi32>
      %lt3A = arith.cmpi slt, %iota3A_67, %iota3A_68 : vector<8x8xi32>
      %convert_element_type3A_69 = arith.extui %lt3A : vector<8x8xi1> to vector<8x8xi32>
      %convert_element_type3A_70 = arith.sitofp %convert_element_type3A_69 : vector<8x8xi32> to vector<8x8xf32>
      %dot_general3A = arith.constant dense<0.000000e+00> : vector<1x8xf32>
      %dot_general3A_71 = tpu.matmul %mul3A_66, %convert_element_type3A_70, %dot_general3A {dimension_numbers = #tpu.dot_dimension_numbers<[1], [0], [0], [1], [0, 0, 1, 1], [], []>, precision = #tpu.contract_precision<fp32>, transpose_lhs_hint = false} : vector<1x8xf32>, vector<8x8xf32>, vector<1x8xf32> -> vector<1x8xf32>
      %mul3A_72 = arith.constant 512 : i32
      %mul3A_73 = arith.muli %arg1, %mul3A_72 : i32
      %get3A_74 = arith.index_cast %mul3A_73 : i32 to index
      %get3A_75 = arith.constant 0 : index
      %get3A_76 = vector.load %arg7[%get3A_74, %get3A_75] : memref<4096x8xf32, #tpu.memory_space<vmem>>, vector<512x8xf32>
      %add3A = vector.broadcast %dot_general3A_71 : vector<1x8xf32> to vector<512x8xf32>
      %add3A_77 = arith.addf %add3A, %get3A_76 : vector<512x8xf32>
      %eq3A_78 = vector.broadcast %broadcast_in_dim3A_6 : vector<512x1xi32> to vector<512x8xi32>
      %eq3A_79 = arith.cmpi eq, %iota3A, %eq3A_78 : vector<512x8xi32>
      %jit3A_80 = arith.constant 0.000000e+00 : f32
      %broadcast_in_dim3A_81 = vector.broadcast %jit3A_80 : f32 to vector<512x8xf32>
      %select_n3A_82 = arith.select %eq3A_79, %add3A_77, %broadcast_in_dim3A_81 : vector<512x8xi1>, vector<512x8xf32>
      %reduce_sum3A_83 = arith.constant dense<0.000000e+00> : vector<512xf32>
      %reduce_sum3A_84 = vector.multi_reduction <add>, %select_n3A_82, %reduce_sum3A_83 [1] : vector<512x8xf32> to vector<512xf32>
      %broadcast_in_dim3A_85 = vector.shape_cast %reduce_sum3A_84 : vector<512xf32> to vector<512x1xf32>
      %eq3A_86 = vector.broadcast %broadcast_in_dim3A_22 : vector<512x1xi32> to vector<512x8xi32>
      %eq3A_87 = arith.cmpi eq, %iota3A, %eq3A_86 : vector<512x8xi32>
      %jit3A_88 = arith.constant 0.000000e+00 : f32
      %broadcast_in_dim3A_89 = vector.broadcast %jit3A_88 : f32 to vector<512x8xf32>
      %select_n3A_90 = arith.select %eq3A_87, %add3A_77, %broadcast_in_dim3A_89 : vector<512x8xi1>, vector<512x8xf32>
      %reduce_sum3A_91 = arith.constant dense<0.000000e+00> : vector<512xf32>
      %reduce_sum3A_92 = vector.multi_reduction <add>, %select_n3A_90, %reduce_sum3A_91 [1] : vector<512x8xf32> to vector<512xf32>
      %broadcast_in_dim3A_93 = vector.shape_cast %reduce_sum3A_92 : vector<512xf32> to vector<512x1xf32>
      %convert_element_type3A_94 = arith.fptosi %broadcast_in_dim3A_85 : vector<512x1xf32> to vector<512x1xi32>
      %swap3A_95 = arith.constant 0 : index
      %swap3A_96 = arith.constant 0 : index
      %swap3A_97 = vector.load %arg4[%swap3A_95, %swap3A_96] : memref<512x1xi32, #tpu.memory_space<vmem>>, vector<512x1xi32>
      tpu.vector_store %arg4[%swap3A_95, %swap3A_96], %convert_element_type3A_94 {strides = array<i32>} : memref<512x1xi32, #tpu.memory_space<vmem>>, vector<512x1xi32>,
      %convert_element_type3A_98 = arith.fptosi %broadcast_in_dim3A_93 : vector<512x1xf32> to vector<512x1xi32>
      %swap3A_99 = arith.constant 0 : index
      %swap3A_100 = arith.constant 0 : index
      %swap3A_101 = vector.load %arg5[%swap3A_99, %swap3A_100] : memref<512x1xi32, #tpu.memory_space<vmem>>, vector<512x1xi32>
      tpu.vector_store %arg5[%swap3A_99, %swap3A_100], %convert_element_type3A_98 {strides = array<i32>} : memref<512x1xi32, #tpu.memory_space<vmem>>, vector<512x1xi32>,
      %add3A_102 = arith.addf %dot_general3A_71, %mul3A_66 : vector<1x8xf32>
      %mul3A_103 = arith.constant 3.906250e-03 : f32
      %mul3A_104 = vector.broadcast %mul3A_103 : f32 to vector<1x8xf32>
      %mul3A_105 = arith.mulf %add3A_102, %mul3A_104 : vector<1x8xf32>
      %iota3A_106 = tpu.iota {dimensions = array<i32: 1>} : vector<1x8xi32>
      %iota3A_107 = tpu.iota {dimensions = array<i32: 1>} : vector<1x64xi32>
      %convert_element_type3A_108 = arith.sitofp %iota3A_107 : vector<1x64xi32> to vector<1x64xf32>
      %broadcast_in_dim3A_109 = arith.constant 0.000000e+00 : f32
      %broadcast_in_dim3A_110 = vector.broadcast %broadcast_in_dim3A_109 : f32 to vector<1x64xf32>
      %eq3A_111 = arith.constant 0 : i32
      %eq3A_112 = vector.broadcast %eq3A_111 : i32 to vector<1x8xi32>
      %eq3A_113 = arith.cmpi eq, %iota3A_106, %eq3A_112 : vector<1x8xi32>
      %jit3A_114 = arith.constant 0.000000e+00 : f32
      %broadcast_in_dim3A_115 = vector.broadcast %jit3A_114 : f32 to vector<1x8xf32>
      %select_n3A_116 = arith.select %eq3A_113, %mul3A_105, %broadcast_in_dim3A_115 : vector<1x8xi1>, vector<1x8xf32>
      %reduce_sum3A_117 = arith.constant dense<0.000000e+00> : vector<1xf32>
      %reduce_sum3A_118 = vector.multi_reduction <add>, %select_n3A_116, %reduce_sum3A_117 [1] : vector<1x8xf32> to vector<1xf32>
      %broadcast_in_dim3A_119 = vector.shape_cast %reduce_sum3A_118 : vector<1xf32> to vector<1x1xf32>
      %ge3A = vector.broadcast %broadcast_in_dim3A_119 : vector<1x1xf32> to vector<1x64xf32>
      %ge3A_120 = arith.cmpf oge, %convert_element_type3A_108, %ge3A : vector<1x64xf32>
      %jit3A_121 = arith.constant 1.000000e+00 : f32
      %jit3A_122 = arith.constant 0.000000e+00 : f32
      %broadcast_in_dim3A_123 = vector.broadcast %jit3A_121 : f32 to vector<1x64xf32>
      %broadcast_in_dim3A_124 = vector.broadcast %jit3A_122 : f32 to vector<1x64xf32>
      %select_n3A_125 = arith.select %ge3A_120, %broadcast_in_dim3A_123, %broadcast_in_dim3A_124 : vector<1x64xi1>, vector<1x64xf32>
      %add3A_126 = arith.addf %broadcast_in_dim3A_110, %select_n3A_125 : vector<1x64xf32>
      %eq3A_127 = arith.constant 1 : i32
      %eq3A_128 = vector.broadcast %eq3A_127 : i32 to vector<1x8xi32>
      %eq3A_129 = arith.cmpi eq, %iota3A_106, %eq3A_128 : vector<1x8xi32>
      %jit3A_130 = arith.constant 0.000000e+00 : f32
      %broadcast_in_dim3A_131 = vector.broadcast %jit3A_130 : f32 to vector<1x8xf32>
      %select_n3A_132 = arith.select %eq3A_129, %mul3A_105, %broadcast_in_dim3A_131 : vector<1x8xi1>, vector<1x8xf32>
      %reduce_sum3A_133 = arith.constant dense<0.000000e+00> : vector<1xf32>
      %reduce_sum3A_134 = vector.multi_reduction <add>, %select_n3A_132, %reduce_sum3A_133 [1] : vector<1x8xf32> to vector<1xf32>
      %broadcast_in_dim3A_135 = vector.shape_cast %reduce_sum3A_134 : vector<1xf32> to vector<1x1xf32>
      %ge3A_136 = vector.broadcast %broadcast_in_dim3A_135 : vector<1x1xf32> to vector<1x64xf32>
      %ge3A_137 = arith.cmpf oge, %convert_element_type3A_108, %ge3A_136 : vector<1x64xf32>
      %jit3A_138 = arith.constant 1.000000e+00 : f32
      %jit3A_139 = arith.constant 0.000000e+00 : f32
      %broadcast_in_dim3A_140 = vector.broadcast %jit3A_138 : f32 to vector<1x64xf32>
      %broadcast_in_dim3A_141 = vector.broadcast %jit3A_139 : f32 to vector<1x64xf32>
      %select_n3A_142 = arith.select %ge3A_137, %broadcast_in_dim3A_140, %broadcast_in_dim3A_141 : vector<1x64xi1>, vector<1x64xf32>
      %add3A_143 = arith.addf %add3A_126, %select_n3A_142 : vector<1x64xf32>
      %eq3A_144 = arith.constant 2 : i32
      %eq3A_145 = vector.broadcast %eq3A_144 : i32 to vector<1x8xi32>
      %eq3A_146 = arith.cmpi eq, %iota3A_106, %eq3A_145 : vector<1x8xi32>
      %jit3A_147 = arith.constant 0.000000e+00 : f32
      %broadcast_in_dim3A_148 = vector.broadcast %jit3A_147 : f32 to vector<1x8xf32>
      %select_n3A_149 = arith.select %eq3A_146, %mul3A_105, %broadcast_in_dim3A_148 : vector<1x8xi1>, vector<1x8xf32>
      %reduce_sum3A_150 = arith.constant dense<0.000000e+00> : vector<1xf32>
      %reduce_sum3A_151 = vector.multi_reduction <add>, %select_n3A_149, %reduce_sum3A_150 [1] : vector<1x8xf32> to vector<1xf32>
      %broadcast_in_dim3A_152 = vector.shape_cast %reduce_sum3A_151 : vector<1xf32> to vector<1x1xf32>
      %ge3A_153 = vector.broadcast %broadcast_in_dim3A_152 : vector<1x1xf32> to vector<1x64xf32>
      %ge3A_154 = arith.cmpf oge, %convert_element_type3A_108, %ge3A_153 : vector<1x64xf32>
      %jit3A_155 = arith.constant 1.000000e+00 : f32
      %jit3A_156 = arith.constant 0.000000e+00 : f32
      %broadcast_in_dim3A_157 = vector.broadcast %jit3A_155 : f32 to vector<1x64xf32>
      %broadcast_in_dim3A_158 = vector.broadcast %jit3A_156 : f32 to vector<1x64xf32>
      %select_n3A_159 = arith.select %ge3A_154, %broadcast_in_dim3A_157, %broadcast_in_dim3A_158 : vector<1x64xi1>, vector<1x64xf32>
      %add3A_160 = arith.addf %add3A_143, %select_n3A_159 : vector<1x64xf32>
      %eq3A_161 = arith.constant 3 : i32
      %eq3A_162 = vector.broadcast %eq3A_161 : i32 to vector<1x8xi32>
      %eq3A_163 = arith.cmpi eq, %iota3A_106, %eq3A_162 : vector<1x8xi32>
      %jit3A_164 = arith.constant 0.000000e+00 : f32
      %broadcast_in_dim3A_165 = vector.broadcast %jit3A_164 : f32 to vector<1x8xf32>
      %select_n3A_166 = arith.select %eq3A_163, %mul3A_105, %broadcast_in_dim3A_165 : vector<1x8xi1>, vector<1x8xf32>
      %reduce_sum3A_167 = arith.constant dense<0.000000e+00> : vector<1xf32>
      %reduce_sum3A_168 = vector.multi_reduction <add>, %select_n3A_166, %reduce_sum3A_167 [1] : vector<1x8xf32> to vector<1xf32>
      %broadcast_in_dim3A_169 = vector.shape_cast %reduce_sum3A_168 : vector<1xf32> to vector<1x1xf32>
      %ge3A_170 = vector.broadcast %broadcast_in_dim3A_169 : vector<1x1xf32> to vector<1x64xf32>
      %ge3A_171 = arith.cmpf oge, %convert_element_type3A_108, %ge3A_170 : vector<1x64xf32>
      %jit3A_172 = arith.constant 1.000000e+00 : f32
      %jit3A_173 = arith.constant 0.000000e+00 : f32
      %broadcast_in_dim3A_174 = vector.broadcast %jit3A_172 : f32 to vector<1x64xf32>
      %broadcast_in_dim3A_175 = vector.broadcast %jit3A_173 : f32 to vector<1x64xf32>
      %select_n3A_176 = arith.select %ge3A_171, %broadcast_in_dim3A_174, %broadcast_in_dim3A_175 : vector<1x64xi1>, vector<1x64xf32>
      %add3A_177 = arith.addf %add3A_160, %select_n3A_176 : vector<1x64xf32>
      %eq3A_178 = arith.constant 4 : i32
      %eq3A_179 = vector.broadcast %eq3A_178 : i32 to vector<1x8xi32>
      %eq3A_180 = arith.cmpi eq, %iota3A_106, %eq3A_179 : vector<1x8xi32>
      %jit3A_181 = arith.constant 0.000000e+00 : f32
      %broadcast_in_dim3A_182 = vector.broadcast %jit3A_181 : f32 to vector<1x8xf32>
      %select_n3A_183 = arith.select %eq3A_180, %mul3A_105, %broadcast_in_dim3A_182 : vector<1x8xi1>, vector<1x8xf32>
      %reduce_sum3A_184 = arith.constant dense<0.000000e+00> : vector<1xf32>
      %reduce_sum3A_185 = vector.multi_reduction <add>, %select_n3A_183, %reduce_sum3A_184 [1] : vector<1x8xf32> to vector<1xf32>
      %broadcast_in_dim3A_186 = vector.shape_cast %reduce_sum3A_185 : vector<1xf32> to vector<1x1xf32>
      %ge3A_187 = vector.broadcast %broadcast_in_dim3A_186 : vector<1x1xf32> to vector<1x64xf32>
      %ge3A_188 = arith.cmpf oge, %convert_element_type3A_108, %ge3A_187 : vector<1x64xf32>
      %jit3A_189 = arith.constant 1.000000e+00 : f32
      %jit3A_190 = arith.constant 0.000000e+00 : f32
      %broadcast_in_dim3A_191 = vector.broadcast %jit3A_189 : f32 to vector<1x64xf32>
      %broadcast_in_dim3A_192 = vector.broadcast %jit3A_190 : f32 to vector<1x64xf32>
      %select_n3A_193 = arith.select %ge3A_188, %broadcast_in_dim3A_191, %broadcast_in_dim3A_192 : vector<1x64xi1>, vector<1x64xf32>
      %add3A_194 = arith.addf %add3A_177, %select_n3A_193 : vector<1x64xf32>
      %eq3A_195 = arith.constant 5 : i32
      %eq3A_196 = vector.broadcast %eq3A_195 : i32 to vector<1x8xi32>
      %eq3A_197 = arith.cmpi eq, %iota3A_106, %eq3A_196 : vector<1x8xi32>
      %jit3A_198 = arith.constant 0.000000e+00 : f32
      %broadcast_in_dim3A_199 = vector.broadcast %jit3A_198 : f32 to vector<1x8xf32>
      %select_n3A_200 = arith.select %eq3A_197, %mul3A_105, %broadcast_in_dim3A_199 : vector<1x8xi1>, vector<1x8xf32>
      %reduce_sum3A_201 = arith.constant dense<0.000000e+00> : vector<1xf32>
      %reduce_sum3A_202 = vector.multi_reduction <add>, %select_n3A_200, %reduce_sum3A_201 [1] : vector<1x8xf32> to vector<1xf32>
      %broadcast_in_dim3A_203 = vector.shape_cast %reduce_sum3A_202 : vector<1xf32> to vector<1x1xf32>
      %ge3A_204 = vector.broadcast %broadcast_in_dim3A_203 : vector<1x1xf32> to vector<1x64xf32>
      %ge3A_205 = arith.cmpf oge, %convert_element_type3A_108, %ge3A_204 : vector<1x64xf32>
      %jit3A_206 = arith.constant 1.000000e+00 : f32
      %jit3A_207 = arith.constant 0.000000e+00 : f32
      %broadcast_in_dim3A_208 = vector.broadcast %jit3A_206 : f32 to vector<1x64xf32>
      %broadcast_in_dim3A_209 = vector.broadcast %jit3A_207 : f32 to vector<1x64xf32>
      %select_n3A_210 = arith.select %ge3A_205, %broadcast_in_dim3A_208, %broadcast_in_dim3A_209 : vector<1x64xi1>, vector<1x64xf32>
      %add3A_211 = arith.addf %add3A_194, %select_n3A_210 : vector<1x64xf32>
      %eq3A_212 = arith.constant 6 : i32
      %eq3A_213 = vector.broadcast %eq3A_212 : i32 to vector<1x8xi32>
      %eq3A_214 = arith.cmpi eq, %iota3A_106, %eq3A_213 : vector<1x8xi32>
      %jit3A_215 = arith.constant 0.000000e+00 : f32
      %broadcast_in_dim3A_216 = vector.broadcast %jit3A_215 : f32 to vector<1x8xf32>
      %select_n3A_217 = arith.select %eq3A_214, %mul3A_105, %broadcast_in_dim3A_216 : vector<1x8xi1>, vector<1x8xf32>
      %reduce_sum3A_218 = arith.constant dense<0.000000e+00> : vector<1xf32>
      %reduce_sum3A_219 = vector.multi_reduction <add>, %select_n3A_217, %reduce_sum3A_218 [1] : vector<1x8xf32> to vector<1xf32>
      %broadcast_in_dim3A_220 = vector.shape_cast %reduce_sum3A_219 : vector<1xf32> to vector<1x1xf32>
      %ge3A_221 = vector.broadcast %broadcast_in_dim3A_220 : vector<1x1xf32> to vector<1x64xf32>
      %ge3A_222 = arith.cmpf oge, %convert_element_type3A_108, %ge3A_221 : vector<1x64xf32>
      %jit3A_223 = arith.constant 1.000000e+00 : f32
      %jit3A_224 = arith.constant 0.000000e+00 : f32
      %broadcast_in_dim3A_225 = vector.broadcast %jit3A_223 : f32 to vector<1x64xf32>
      %broadcast_in_dim3A_226 = vector.broadcast %jit3A_224 : f32 to vector<1x64xf32>
      %select_n3A_227 = arith.select %ge3A_222, %broadcast_in_dim3A_225, %broadcast_in_dim3A_226 : vector<1x64xi1>, vector<1x64xf32>
      %add3A_228 = arith.addf %add3A_211, %select_n3A_227 : vector<1x64xf32>
      %eq3A_229 = arith.constant 7 : i32
      %eq3A_230 = vector.broadcast %eq3A_229 : i32 to vector<1x8xi32>
      %eq3A_231 = arith.cmpi eq, %iota3A_106, %eq3A_230 : vector<1x8xi32>
      %jit3A_232 = arith.constant 0.000000e+00 : f32
      %broadcast_in_dim3A_233 = vector.broadcast %jit3A_232 : f32 to vector<1x8xf32>
      %select_n3A_234 = arith.select %eq3A_231, %mul3A_105, %broadcast_in_dim3A_233 : vector<1x8xi1>, vector<1x8xf32>
      %reduce_sum3A_235 = arith.constant dense<0.000000e+00> : vector<1xf32>
      %reduce_sum3A_236 = vector.multi_reduction <add>, %select_n3A_234, %reduce_sum3A_235 [1] : vector<1x8xf32> to vector<1xf32>
      %broadcast_in_dim3A_237 = vector.shape_cast %reduce_sum3A_236 : vector<1xf32> to vector<1x1xf32>
      %ge3A_238 = vector.broadcast %broadcast_in_dim3A_237 : vector<1x1xf32> to vector<1x64xf32>
      %ge3A_239 = arith.cmpf oge, %convert_element_type3A_108, %ge3A_238 : vector<1x64xf32>
      %jit3A_240 = arith.constant 1.000000e+00 : f32
      %jit3A_241 = arith.constant 0.000000e+00 : f32
      %broadcast_in_dim3A_242 = vector.broadcast %jit3A_240 : f32 to vector<1x64xf32>
      %broadcast_in_dim3A_243 = vector.broadcast %jit3A_241 : f32 to vector<1x64xf32>
      %select_n3A_244 = arith.select %ge3A_239, %broadcast_in_dim3A_242, %broadcast_in_dim3A_243 : vector<1x64xi1>, vector<1x64xf32>
      %add3A_245 = arith.addf %add3A_228, %select_n3A_244 : vector<1x64xf32>
      %min3A = arith.constant 7.000000e+00 : f32
      %min3A_246 = vector.broadcast %min3A : f32 to vector<1x64xf32>
      %min3A_247 = arith.minimumf %add3A_245, %min3A_246 : vector<1x64xf32>
      %convert_element_type3A_248 = arith.fptosi %min3A_247 : vector<1x64xf32> to vector<1x64xi32>
      %swap3A_249 = arith.constant 0 : index
      %swap3A_250 = arith.constant 0 : index
      %swap3A_251 = vector.load %arg6[%swap3A_249, %swap3A_250] : memref<1x64xi32, #tpu.memory_space<vmem>>, vector<1x64xi32>
      tpu.vector_store %arg6[%swap3A_249, %swap3A_250], %convert_element_type3A_248 {strides = array<i32>} : memref<1x64xi32, #tpu.memory_space<vmem>>, vector<1x64xi32>,
    } else {
    }
    return
  }
  func.func @transform_0(%arg0: i32, %arg1: i32) -> (i32, i32) {
    %c0_i32 = arith.constant 0 : i32
    %c0_i32_0 = arith.constant 0 : i32
    return %arg1, %c0_i32 : i32, i32
  }
  func.func @transform_1(%arg0: i32, %arg1: i32) -> (i32, i32) {
    %c0_i32 = arith.constant 0 : i32
    %c0_i32_0 = arith.constant 0 : i32
    return %arg1, %c0_i32 : i32, i32
  }
  func.func @transform_2(%arg0: i32, %arg1: i32) -> (i32, i32) {
    %c0_i32 = arith.constant 0 : i32
    %c0_i32_0 = arith.constant 0 : i32
    return %arg1, %c0_i32 : i32, i32
  }
  func.func @transform_3(%arg0: i32, %arg1: i32) -> (i32, i32) {
    %c0_i32 = arith.constant 0 : i32
    %c0_i32_0 = arith.constant 0 : i32
    return %arg1, %c0_i32 : i32, i32
  }
  func.func @transform_4(%arg0: i32, %arg1: i32) -> (i32, i32) {
    %c0_i32 = arith.constant 0 : i32
    %c0_i32_0 = arith.constant 0 : i32
    %c0_i32_1 = arith.constant 0 : i32
    return %c0_i32, %c0_i32_0 : i32, i32
  }
}

module attributes {stable_mosaic.version = 14 : i64} {
  func.func @_mm_kernel(%arg0: i32, %arg1: memref<40xi32, #tpu.memory_space<smem>>, %arg2: memref<256x1024xf32, #tpu.memory_space<vmem>>, %arg3: memref<1x1024x1024xf32, #tpu.memory_space<vmem>>, %arg4: memref<1x1x1024xf32, #tpu.memory_space<vmem>>, %arg5: memref<256x1024xf32, #tpu.memory_space<vmem>>) attributes {dimension_semantics = [#tpu.dimension_semantics<arbitrary>], iteration_bounds = array<i64: 40>, scalar_prefetch = 1 : i64, scratch_operands = 0 : i64, tpu.core_type = #tpu.core_type<tc>, window_params = [{transform_indices = @transform_0, window_bounds = array<i64: 256, 1024>}, {transform_indices = @transform_1, window_bounds = array<i64: 1, 1024, 1024>}, {transform_indices = @transform_2, window_bounds = array<i64: 1, 1, 1024>}, {transform_indices = @transform_3, window_bounds = array<i64: 256, 1024>}]} {
    %get3A = arith.constant 0 : index
    %get3A_0 = arith.constant 0 : index
    %get3A_1 = vector.load %arg2[%get3A, %get3A_0] : memref<256x1024xf32, #tpu.memory_space<vmem>>, vector<256x1024xf32>
    %get3A_2 = arith.constant 0 : index
    %get3A_3 = arith.constant 0 : index
    %get3A_4 = arith.constant 0 : index
    %get3A_5 = vector.load %arg3[%get3A_2, %get3A_3, %get3A_4] : memref<1x1024x1024xf32, #tpu.memory_space<vmem>>, vector<1x1024x1024xf32>
    %get3A_6 = vector.shape_cast %get3A_5 : vector<1x1024x1024xf32> to vector<1024x1024xf32>
    %dot_general3A = arith.constant dense<0.000000e+00> : vector<256x1024xf32>
    %dot_general3A_7 = tpu.matmul %get3A_1, %get3A_6, %dot_general3A {dimension_numbers = #tpu.dot_dimension_numbers<[1], [0], [0], [1], [0, 0, 1, 1], [], []>, transpose_lhs_hint = false} : vector<256x1024xf32>, vector<1024x1024xf32>, vector<256x1024xf32> -> vector<256x1024xf32>
    %get3A_8 = arith.constant 0 : index
    %get3A_9 = arith.constant 0 : index
    %get3A_10 = arith.constant 0 : index
    %get3A_11 = vector.load %arg4[%get3A_8, %get3A_9, %get3A_10] : memref<1x1x1024xf32, #tpu.memory_space<vmem>>, vector<1x1x1024xf32>
    %get3A_12 = vector.shape_cast %get3A_11 : vector<1x1x1024xf32> to vector<1x1024xf32>
    %add3A = vector.broadcast %get3A_12 : vector<1x1024xf32> to vector<256x1024xf32>
    %add3A_13 = arith.addf %dot_general3A_7, %add3A : vector<256x1024xf32>
    %swap3A = arith.constant 0 : index
    %swap3A_14 = arith.constant 0 : index
    %swap3A_15 = vector.load %arg5[%swap3A, %swap3A_14] : memref<256x1024xf32, #tpu.memory_space<vmem>>, vector<256x1024xf32>
    tpu.vector_store %arg5[%swap3A, %swap3A_14], %add3A_13 {strides = array<i32>} : memref<256x1024xf32, #tpu.memory_space<vmem>>, vector<256x1024xf32>,
    return
  }
  func.func @transform_0(%arg0: i32, %arg1: memref<40xi32, #tpu.memory_space<smem>>) -> (i32, i32) {
    %c0_i32 = arith.constant 0 : i32
    %c0_i32_0 = arith.constant 0 : i32
    return %arg0, %c0_i32 : i32, i32
  }
  func.func @transform_1(%arg0: i32, %arg1: memref<40xi32, #tpu.memory_space<smem>>) -> (i32, i32, i32) {
    %get3A = arith.index_cast %arg0 : i32 to index
    %get3A_0 = memref.load %arg1[%get3A] : memref<40xi32, #tpu.memory_space<smem>>
    %c0_i32 = arith.constant 0 : i32
    %c0_i32_1 = arith.constant 0 : i32
    %c0_i32_2 = arith.constant 0 : i32
    return %get3A_0, %c0_i32, %c0_i32_1 : i32, i32, i32
  }
  func.func @transform_2(%arg0: i32, %arg1: memref<40xi32, #tpu.memory_space<smem>>) -> (i32, i32, i32) {
    %get3A = arith.index_cast %arg0 : i32 to index
    %get3A_0 = memref.load %arg1[%get3A] : memref<40xi32, #tpu.memory_space<smem>>
    %c0_i32 = arith.constant 0 : i32
    %c0_i32_1 = arith.constant 0 : i32
    %c0_i32_2 = arith.constant 0 : i32
    return %get3A_0, %c0_i32, %c0_i32_1 : i32, i32, i32
  }
  func.func @transform_3(%arg0: i32, %arg1: memref<40xi32, #tpu.memory_space<smem>>) -> (i32, i32) {
    %c0_i32 = arith.constant 0 : i32
    %c0_i32_0 = arith.constant 0 : i32
    return %arg0, %c0_i32 : i32, i32
  }
}

module attributes {stable_mosaic.version = 14 : i64} {
  func.func @_wadd_kernel(%arg0: i32, %arg1: memref<512x1024xf32, #tpu.memory_space<vmem>>, %arg2: memref<512x1024xf32, #tpu.memory_space<vmem>>, %arg3: memref<512x2xf32, #tpu.memory_space<vmem>>, %arg4: memref<512x1024xf32, #tpu.memory_space<vmem>>) attributes {dimension_semantics = [#tpu.dimension_semantics<arbitrary>], iteration_bounds = array<i64: 8>, scalar_prefetch = 0 : i64, scratch_operands = 0 : i64, tpu.core_type = #tpu.core_type<tc>, window_params = [{transform_indices = @transform_0, window_bounds = array<i64: 512, 1024>}, {transform_indices = @transform_1, window_bounds = array<i64: 512, 1024>}, {transform_indices = @transform_2, window_bounds = array<i64: 512, 2>}, {transform_indices = @transform_3, window_bounds = array<i64: 512, 1024>}]} {
    %get3A = arith.constant 0 : index
    %get3A_0 = arith.constant 0 : index
    %get3A_1 = vector.load %arg3[%get3A, %get3A_0] : memref<512x2xf32, #tpu.memory_space<vmem>>, vector<512x2xf32>
    %get3A_2 = arith.constant 0 : index
    %get3A_3 = arith.constant 0 : index
    %get3A_4 = vector.load %arg1[%get3A_2, %get3A_3] : memref<512x1024xf32, #tpu.memory_space<vmem>>, vector<512x1024xf32>
    %slice3A = vector.extract_strided_slice %get3A_1 {offsets = [0, 0], sizes = [512, 1], strides = [1, 1]} : vector<512x2xf32> to vector<512x1xf32>
    %mul3A = vector.broadcast %slice3A : vector<512x1xf32> to vector<512x1024xf32>
    %mul3A_5 = arith.mulf %get3A_4, %mul3A : vector<512x1024xf32>
    %get3A_6 = arith.constant 0 : index
    %get3A_7 = arith.constant 0 : index
    %get3A_8 = vector.load %arg2[%get3A_6, %get3A_7] : memref<512x1024xf32, #tpu.memory_space<vmem>>, vector<512x1024xf32>
    %slice3A_9 = vector.extract_strided_slice %get3A_1 {offsets = [0, 1], sizes = [512, 1], strides = [1, 1]} : vector<512x2xf32> to vector<512x1xf32>
    %mul3A_10 = vector.broadcast %slice3A_9 : vector<512x1xf32> to vector<512x1024xf32>
    %mul3A_11 = arith.mulf %get3A_8, %mul3A_10 : vector<512x1024xf32>
    %add3A = arith.addf %mul3A_5, %mul3A_11 : vector<512x1024xf32>
    %swap3A = arith.constant 0 : index
    %swap3A_12 = arith.constant 0 : index
    %swap3A_13 = vector.load %arg4[%swap3A, %swap3A_12] : memref<512x1024xf32, #tpu.memory_space<vmem>>, vector<512x1024xf32>
    tpu.vector_store %arg4[%swap3A, %swap3A_12], %add3A {strides = array<i32>} : memref<512x1024xf32, #tpu.memory_space<vmem>>, vector<512x1024xf32>,
    return
  }
  func.func @transform_0(%arg0: i32) -> (i32, i32) {
    %c0_i32 = arith.constant 0 : i32
    %c0_i32_0 = arith.constant 0 : i32
    return %arg0, %c0_i32 : i32, i32
  }
  func.func @transform_1(%arg0: i32) -> (i32, i32) {
    %add3A = arith.constant 8 : i32
    %add3A_0 = arith.addi %arg0, %add3A : i32
    %c0_i32 = arith.constant 0 : i32
    %c0_i32_1 = arith.constant 0 : i32
    return %add3A_0, %c0_i32 : i32, i32
  }
  func.func @transform_2(%arg0: i32) -> (i32, i32) {
    %c0_i32 = arith.constant 0 : i32
    %c0_i32_0 = arith.constant 0 : i32
    return %arg0, %c0_i32 : i32, i32
  }
  func.func @transform_3(%arg0: i32) -> (i32, i32) {
    %c0_i32 = arith.constant 0 : i32
    %c0_i32_0 = arith.constant 0 : i32
    return %arg0, %c0_i32 : i32, i32
  }
}

</mosaic_0001>

<sc_bundles>
// kernel: kernel.10.cloned.1.call-start
scs
__scs_entry_jumppad:
0x0: {  	(pc) =	sbr.rel $0x88, $3  }
0x1: {  	(tag) =	ssettag $0x0;
	lr =	simm.s32 $0x1  }
0x2: {  	[smem:$0x3F9C] =	sst lr;
	_ =	strace $0xD0000000  }
0x3: {  	_ = 	snop  }
0x4: {  	_ = 	snop  }
0x5: {  	_ = 	snop  }
0x6: {  	_ = 	snop  }
0x7: {  	_ = 	snop  }
__scs_overlays_trampoline_lowered:
0x8: {  	[smem:$0x3FAB] =	sst s0  }
0x9: {  	[smem:$0x3FAC] =	sst s1  }
0xa: {  	[smem:$0x3FAD] =	sst s2  }
0xb: {  	[smem:$0x3FAE] =	sst s3  }
0xc: {  	[smem:$0x3FAF] =	sst s4  }
0xd: {  	[smem:$0x3FB0] =	sst s5  }
0xe: {  	[smem:$0x3FB1] =	sst s6  }
0xf: {  	[smem:$0x3FB2] =	sst s7  }
0x10: {  	[smem:$0x3FB3] =	sst s8  }
0x11: {  	[smem:$0x3FB4] =	sst s9;
	s0 =	simm.s32 @!p0 $0x0  }
0x12: {  	s1 =	sld [smem:$0x3F9A];
	s0 =	simm.s32 @p0 $0x1  }
0x13: {  	[smem:$0x3FB5] =	sst s0;
	s0 =	simm.s32 @!p1 $0x0  }
0x14: {  	s2 =	sld [smem:$0x3F99];
	s0 =	simm.s32 @p1 $0x1  }
0x15: {  	[smem:$0x3FB6] =	sst s0;
	s0 =	simm.s32 @!p2 $0x0  }
0x16: {  	s3 =	sld [smem:$0x3FDB];
	s0 =	simm.s32 @p2 $0x1  }
0x17: {  	s4 =	simm.s32 $0x1BF5;
	[smem:$0x3FB8] =	sst s0  }
0x18: {  	s0 =	sld [smem:$0x3F9B];
	_ =	swait.ge [sflag:s4], $0x0  }
0x19: {  	s7 =	sld [smem:$0x3F9C]  }
0x1a: {  	s8 =	sadd.s32 $0xFFFFE003, lr  }
0x1b: {  	s9 =	sadd.s32 $0xFFFFFEF7, lr;
	s5 =	simm.s32 $0xFFFFFFFF;
	p2 =	slt.u32 s8, $0xFFFFF086  }
0x1c: {  	p1 =	slt.u32 s9, $0xF7A;
	s5 =	simm.s32 @!p2 $0x0  }
0x1d: {  	s5 =	simm.s32 @p1 $0x1;
	p0 =	seq.s32 s7, s2  }
0x1e: {  	s7 =	smul.u32 @!p0 $0xF7A, s2;
	p2 =	seq.s32 @!p0 s5, $0x0  }
0x1f: {  	s9 =	smul.u32 $0xF7A, s1;
	s8 =	simm.s32 @!p0 $0x1BF5;
	p2 =	por !p2, p0  }
0x20: {  	[sflag:s8] =	ssyncset.s32 @!p0 $0xFFFFF086;
	s6 =	sadd.s32 @!p0 s3, s7;
	s7 =	simm.s32 @!p0 $0x108  }
0x21: {  	s3 =	sadd.s32 s3, s9;
	s6 =	sadd.s32 @!p0 $0x88, s6;
	s7 =	simm.s32 @p2 $0x1082  }
0x22: {  	[simem:s7], [sflag:s8] =	dma.local @!p0 [hbm:s6], $0xF7A  }
0x23: {  	s9 =	sor.u32 $0xD0000000, s2;
	s6 =	simm.s32 $0x108;
	_ =	swait.ge @!p0 [sflag:s8], $0x0  }
0x24: {  	s3 =	sadd.s32 $0x88, s3;
	s6 =	simm.s32 @!p1 $0x1082;
	[sflag:s4] =	ssyncset.s32 $0xFFFFF086  }
0x25: {  	[simem:s6], [sflag:s4] =	dma.local [hbm:s3], $0xF7A  }
0x26: {  	[smem:$0x3F9C] =	sst s1;
	(tag) =	ssettag s2;
	_ =	strace s9  }
0x27: {  	s1 =	sld [smem:$0x3FAC]  }
0x28: {  	s2 =	sld [smem:$0x3FAD]  }
0x29: {  	s4 =	sld [smem:$0x3FAF]  }
0x2a: {  	p0 =	seq.s32 s5, $0x0;
	s5 =	sld [smem:$0x3FB0]  }
0x2b: {  	s6 =	sld [smem:$0x3FB1]  }
0x2c: {  	s7 =	sld [smem:$0x3FB2]  }
0x2d: {  	s3 =	simm.s32 $0x108;
	s8 =	sld [smem:$0x3FB3]  }
0x2e: {  	s3 =	simm.s32 @!p0 $0x1082;
	s9 =	sld [smem:$0x3FB4]  }
0x2f: {  	lr =	sadd.s32 s0, s3;
	s0 =	sld [smem:$0x3FAB]  }
0x30: {  	s3 =	sld [smem:$0x3FAE]  }
0x31: {  	[smem:$0x3FB7] =	sst s10  }
0x32: {  	s10 =	sld [smem:$0x3FB5];
	_ =	sdelay $0x3  }
0x33: {  	p0 =	seq.s32 s10, $0x1;
	s10 =	sld [smem:$0x3FB7];
	_ =	sdelay $0x3  }
0x34: {  	[smem:$0x3FB7] =	sst s10  }
0x35: {  	s10 =	sld [smem:$0x3FB6];
	_ =	sdelay $0x3  }
0x36: {  	p1 =	seq.s32 s10, $0x1;
	s10 =	sld [smem:$0x3FB7];
	_ =	sdelay $0x3  }
0x37: {  	[smem:$0x3FB7] =	sst s10  }
0x38: {  	s10 =	sld [smem:$0x3FB8]  }
0x39: {  	_ = 	snop;
	(pc) =	sbr.ind lr, $3  }
0x3a: {  	_ = 	snop  }
0x3b: {  	_ = 	snop  }
0x3c: {  	p2 =	seq.s32 s10, $0x1;
	s10 =	sld [smem:$0x3FB7]  }
0x3d: {  	_ =	shalt  }
0x3e: {  	_ =	shalt  }
0x3f: {  	_ =	shalt  }
0x40: {  	_ =	shalt  }
0x41: {  	_ =	shalt  }
0x42: {  	_ =	shalt  }
0x43: {  	_ =	shalt  }
0x44: {  	_ =	shalt  }
0x45: {  	_ =	shalt  }
0x46: {  	_ =	shalt  }
0x47: {  	_ =	shalt  }
0x48: {  	_ =	shalt  }
0x49: {  	_ =	shalt  }
0x4a: {  	_ =	shalt  }
0x4b: {  	_ =	shalt  }
0x4c: {  	_ =	shalt  }
0x4d: {  	_ =	shalt  }
0x4e: {  	_ =	shalt  }
0x4f: {  	_ =	shalt  }
0x50: {  	_ =	shalt  }
0x51: {  	_ =	shalt  }
0x52: {  	_ =	shalt  }
0x53: {  	_ =	shalt  }
0x54: {  	_ =	shalt  }
0x55: {  	_ =	shalt  }
0x56: {  	_ =	shalt  }
0x57: {  	_ =	shalt  }
0x58: {  	_ =	shalt  }
0x59: {  	_ =	shalt  }
0x5a: {  	_ =	shalt  }
0x5b: {  	_ =	shalt  }
0x5c: {  	_ =	shalt  }
0x5d: {  	_ =	shalt  }
0x5e: {  	_ =	shalt  }
0x5f: {  	_ =	shalt  }
0x60: {  	_ =	shalt  }
0x61: {  	_ =	shalt  }
0x62: {  	_ =	shalt  }
0x63: {  	_ =	shalt  }
0x64: {  	_ =	shalt  }
0x65: {  	_ =	shalt  }
0x66: {  	_ =	shalt  }
0x67: {  	_ =	shalt  }
0x68: {  	_ =	shalt  }
0x69: {  	_ =	shalt  }
0x6a: {  	_ =	shalt  }
0x6b: {  	_ =	shalt  }
0x6c: {  	_ =	shalt  }
0x6d: {  	_ =	shalt  }
0x6e: {  	_ =	shalt  }
0x6f: {  	_ =	shalt  }
0x70: {  	_ =	shalt  }
0x71: {  	_ =	shalt  }
0x72: {  	_ =	shalt  }
0x73: {  	_ =	shalt  }
0x74: {  	_ =	shalt  }
0x75: {  	_ =	shalt  }
0x76: {  	_ =	shalt  }
0x77: {  	_ =	shalt  }
0x78: {  	_ =	shalt  }
0x79: {  	_ =	shalt  }
0x7a: {  	_ =	shalt  }
0x7b: {  	_ =	shalt  }
0x7c: {  	_ =	shalt  }
0x7d: {  	_ =	shalt  }
0x7e: {  	_ =	shalt  }
0x7f: {  	_ =	shalt  }
0x80: {  	_ =	shalt  }
0x81: {  	_ =	shalt  }
0x82: {  	_ =	shalt  }
0x83: {  	_ =	shalt  }
0x84: {  	_ =	shalt  }
0x85: {  	_ =	shalt  }
0x86: {  	_ =	shalt  }
0x87: {  	_ =	shalt  }
.Lfunc_end0:
.L_simem_size_0:
called_computation.1_lowered:
.L_overlay_start_0:
0x88: {  	s2 =	sld [smem:$0x3FD9]  }
0x89: {  	s3 =	sld [smem:$0x3FFE];
	_ =	sdelay $0x1  }
0x8a: {  	s1 =	srdreg.scid  }
0x8b: {  	s0 =	sand.u32 $0x1, s1  }
0x8c: {  	s16 =	sshll.u32 s0, $0xA;
	s2 =	sadd.s32 s3, s2  }
0x8d: {  	s2 =	sadd.s32 s2, s16  }
0x8e: {  	[smem:$0x3FC3] =	sst s2  }
0x8f: {  	_ = 	snop  }
0x90: {  	(tm) =	ssettm $0x1  }
0x91: {  	s17 =	sld [smem:$0x3FFB];
	_ =	sdelay $0x3  }
0x92: {  	_ =	strace s17  }
0x93: {  	s2 =	sld [smem:$0x3FFC];
	_ =	sdelay $0x3  }
0x94: {  	_ =	strace s2  }
0x95: {  	s2 =	sld [smem:$0x3FFD];
	_ =	sdelay $0x3  }
0x96: {  	_ =	strace s2  }
0x97: {  	_ =	strace $0x8FFFFFFF  }
0x98: {  	s18 =	sld [smem:$0x3FDB];
	_ =	sdelay $0x1  }
0x99: {  	s19 =	simm.s32 $_scs_section_size  }
0x9a: {  	s4 =	simm.s32 $_size__tile_overlayer_lowered;
	s5 =	simm.s32 $_tile_overlayer_lowered  }
0x9b: {  	s22 =	simm.s32 $0x1BFF;
	s21 =	sshll.u32 s5, $0x1;
	s2 =	sadd.s32 s19, s18  }
0x9c: {  	s6 =	simm.s32 $0x0;
	s20 =	sshll.u32 s4, $0x1;
	s4 =	sadd.s32 s21, s2  }
0x9d: {  	[timem:s6], [sflag:s22] =	dma.local [hbm:s4], s20  }
0x9e: {  	_ =	swait.ge [sflag:s22], s20  }
0x9f: {  	s3 =	ssub.s32 $0x0, s20;
	[sflag:s22] =	ssyncset.done $0x0  }
0xa0: {  	[sflag:s22] =	ssyncadd.s32 s3;
	_ =	sdelay $0x1  }
0xa1: {  	s23 =	simm.s32 $0x1B8B  }
0xa2: {  	_ =	swait.ge [sflag:s23], $0x1  }
0xa3: {  	[sflag:s23] =	ssyncset.done $0x0  }
0xa4: {  	s25 =	simm.s32 $0x1B8E;
	s24 =	sld [smem:$0x3FFE];
	[sflag:s23] =	ssyncadd.s32 $0xFFFFFFFF  }
0xa5: {  	s26 =	simm.s32 $execute0_lowered;
	[smem:$0x3FD2] =	sst s25  }
0xa6: {  	s4 =	sshll.u32 s26, $0x1;
	_ =	strace $0x80000049;
	[dreg:$0x1] =	wrdreg $0xFFFFFFFF  }
0xa7: {  	s28 =	simm.s32 $_size_execute0_lowered;
	s2 =	sadd.s32 s2, s4;
	[dreg:$0x0] =	wrdreg $0x0  }
0xa8: {  	s4 =	sshll.u32 s28, $0x1;
	[dreg:$0x2] =	wrdreg s2  }
0xa9: {  	[dreg:$0x3] =	wrdreg s4  }
0xaa: {  	[dreg:$0x4] =	wrdreg $0xC0  }
0xab: {  	_ =	task [dreg:s6], $0x5FFFF  }
0xac: {  	[dreg:$0x1] =	wrdreg $0xFFFFFFFF  }
0xad: {  	[dreg:$0x0] =	wrdreg $0x60  }
0xae: {  	[dreg:$0x2] =	wrdreg s24  }
0xaf: {  	[dreg:$0x3] =	wrdreg $0x9  }
0xb0: {  	_ =	task.clear_ibuf [dreg:s6], $0x4FFFF;
	_ =	strace $0x90000049  }
0xb1: {  	s29 =	simm.s32 $0x9;
	_ =	strace $0x8000004B  }
0xb2: {  	_ =	swait.ge [sflag:s29], $0x1  }
0xb3: {  	[sflag:s29] =	ssyncadd.s32 $0xFFFFFFFF  }
0xb4: {  	_ =	strace $0x9000004B  }
0xb5: {  	_ =	sfence  }
0xb6: {  	s30 =	sld [smem:$0x0];
	_ =	sdelay $0x2  }
0xb7: {  	s31 =	sshll.u32 s1, $0xD;
	s1 =	sshrl.u32 s1, $0x2  }
0xb8: {  	s3 =	sand.u32 $0x4000, s31;
	s1 =	sadd.s32 s1, s30  }
0xb9: {  	s0 =	sor.u32 s3, s0;
	s1 =	sshll.u32 s1, $0x11  }
0xba: {  	s0 =	sor.u32 s1, s0  }
0xbb: {  	s0 =	sadd.s32 $0x8F2B, s0  }
0xbc: {  	[sflag:s0] =	ssyncadd.remote.s32 $0x1  }
0xbd: {  	_ =	sfence.sel $0xFFFF  }
0xbe: {  	[dreg:$0x0] =	wrdreg $0xFFFFFFFF;
	(pc) =	sbr.abs _section_cstart, $3  }
0xbf: {  	[dreg:$0x1] =	wrdreg $0xFFFFFFFF  }
0xc0: {  	_ =	task.clear_ibuf [dreg:s6], $0x2FFFF;
	_ =	strace $0x9FFFFFFF  }
0xc1: {  	(tm) =	ssettm $0x7FFFFFFF  }
tec
execute0_lowered:
.L_overlay_start_1:
0x0: {  	(tag) =	ssettag $0x1  }
0x1: {  	s0 =	srdreg.scid  }
0x2: {  	s1 =	stileid.u32;
	s6 =	rddreg [dreg:$0x0]  }
0x3: {  	s9 =	simm.s32 $0x100;
	s17 =	simm.s32 $0x1;
	s18 =	simm.s32 $0x3  }
0x4: {  	s19 =	simm.s32 $0x2;
	s20 =	simm.s32 $0x4;
	s28 =	simm.s32 $0x2900  }
0x5: {  	s29 =	simm.s32 $0x3100;
	s30 =	simm.s32 $0x3900;
	s0 =	sand.u32 $0x1, s0  }
0x6: {  	s31 =	simm.s32 $0x4100;
	s1 =	sshll.u32 s1, $0x9;
	s2 =	sshll.u32 s0, $0x8  }
0x7: {  	s15 =	simm.s32 $0x5100;
	s8 =	simm.s32 $0x5900;
	s1 =	sor.u32 s2, s1  }
0x8: {  	s10 =	simm.s32 $0x6100;
	s11 =	simm.s32 $0x6900;
	s3 =	sshrl.u32 s1, $0x3  }
0x9: {  	s2 =	simm.s32 $0x0;
	s1 =	sshll.u32 s1, $0x7;
	s3 =	sadd.s32 s3, s6  }
0xa: {  	[smem:$0x7FF] =	sst s2;
	s1 =	sadd.s32 s1, s6;
	s3 =	sadd.s32 $0x141A00, s3  }
0xb: {  	_ =	strace $0x8000004A;
	s4 =	sadd.s32 $0xA00, s1;
	[dreg:$0x2] =	wrdreg s3  }
0xc: {  	s12 =	simm.s32 $0x7100;
	s22 =	sadd.s32 $0x1A00, s1;
	[dreg:$0x3] =	wrdreg s4  }
0xd: {  	s13 =	simm.s32 $0x7900;
	s23 =	sadd.s32 $0x2A00, s1;
	[dreg:$0x4] =	wrdreg s22  }
0xe: {  	s0 =	ssub.s32 $0x2, s0;
	s24 =	sadd.s32 $0x3A00, s1;
	[dreg:$0x5] =	wrdreg s23  }
0xf: {  	s5 =	sshrl.u32 s0, $0x1;
	s25 =	sadd.s32 $0x4A00, s1;
	[dreg:$0x6] =	wrdreg s24  }
0x10: {  	s0 =	ssub.s32 s0, s5;
	s7 =	sadd.s32 $0x5A00, s1;
	[dreg:$0x7] =	wrdreg s25  }
0x11: {  	s5 =	sadd.s32 $0x142000, s6;
	s26 =	sadd.s32 $0x6A00, s1;
	[dreg:$0x8] =	wrdreg s7  }
0x12: {  	s1 =	sadd.s32 $0x7A00, s1;
	s3 =	sadd.s32 $0x141E00, s6;
	[dreg:$0x9] =	wrdreg s26  }
0x13: {  	v2 =	vlaneseq.u32;
	s4 =	sadd.s32 $0x141F00, s6;
	s6 =	sadd.s32 $0x142100, s6;
	[dreg:$0xa] =	wrdreg s1  }
0x14: {  	vm0 =	vmmov $0xffff;
	v1 =	vshrl.u32 v2, $0x3;
	s7 =	smax.u32 s0, $0x1;
	s25 =	simm.s32 $0x8100;
	s22 =	simm.s32 $0x900  }
0x15: {  	v0 =	vand.u32 $0x7, v2;
	v2 =	vor.u32 $0x8, v2;
	v1 =	vmul.u32 $0x8, v1;
	s23 =	simm.s32 $0x1100;
	s24 =	simm.s32 $0x1900;
	s26 =	simm.s32 $0x2100  }
.LBB2_1:
0x16: {  	s21 =	rddreg [dreg:$0x2];
	s14 =	simm.s32 $0x5  }
0x17: {  	[tilespmem:s2], [sflag:$0x5] =	stream.linear.gather [hbm4b:s21+s2], $0x100, $0x38;
	[tilespmem:$0x10100] =	vst v63  }
0x18: {  	_ =	swait.ge [sflag:s14], $0x100  }
0x19: {  	[sflag:s14] =	ssyncset.done $0x0  }
0x1a: {  	[sflag:s14] =	ssyncadd.s32 $0xFFFFFF00  }
0x1b: {  	v3 =	vld [tilespmem:$0x0];
	_ =	sdelay $0x4  }
0x1c: {  	v4 =	vshll.u32 v3, $0x3  }
0x1d: {  	v3 =	vand.u32 $0x7, v3;
	v4 =	vand.u32 $0xFFFFFFC0, v4  }
0x1e: {  	v3 =	vor.u32 v3, v4  }
0x1f: {  	v4 =	vperm.xlane v3, v0;
	_ =	sdelay $0x1  }
0x20: {  	v4 =	vadd.s32 v1, v4;
	_ =	sdelay $0x4  }
0x21: {  	[tilespmem:s9], [sflag:$0x1] =	stream.indirect_vreg.gather [hbm4b:s3+s2], $0x80, v4, vm0, $0xb8;
	[tilespmem:$0x10100] =	vst v63  }
0x22: {  	v3 =	vperm.xlane v3, v2  }
0x23: {  	[tilespmem:s22], [sflag:$0x1] =	stream.indirect_vreg.gather [hbm4b:s4+s2], $0x80, v4, vm0, $0xb8;
	[tilespmem:$0x10100] =	vst v63  }
0x24: {  	v3 =	vadd.s32 v1, v3  }
0x25: {  	[tilespmem:s23], [sflag:$0x1] =	stream.indirect_vreg.gather [hbm4b:s5+s2], $0x80, v4, vm0, $0xb8;
	[tilespmem:$0x10100] =	vst v63  }
0x26: {  	_ = 	snop  }
0x27: {  	[tilespmem:s24], [sflag:$0x1] =	stream.indirect_vreg.gather [hbm4b:s6+s2], $0x80, v4, vm0, $0xb8;
	[tilespmem:$0x10100] =	vst v63  }
0x28: {  	_ = 	snop  }
0x29: {  	[tilespmem:s26], [sflag:$0x1] =	stream.indirect_vreg.gather [hbm4b:s3+s2], $0x80, v3, vm0, $0xb8;
	[tilespmem:$0x10100] =	vst v63  }
0x2a: {  	_ = 	snop  }
0x2b: {  	[tilespmem:s28], [sflag:$0x1] =	stream.indirect_vreg.gather [hbm4b:s4+s2], $0x80, v3, vm0, $0xb8;
	[tilespmem:$0x10100] =	vst v63  }
0x2c: {  	_ = 	snop  }
0x2d: {  	[tilespmem:s29], [sflag:$0x1] =	stream.indirect_vreg.gather [hbm4b:s5+s2], $0x80, v3, vm0, $0xb8;
	[tilespmem:$0x10100] =	vst v63  }
0x2e: {  	_ = 	snop  }
0x2f: {  	[tilespmem:s30], [sflag:$0x1] =	stream.indirect_vreg.gather [hbm4b:s6+s2], $0x80, v3, vm0, $0xb8;
	[tilespmem:$0x10100] =	vst v63  }
0x30: {  	v3 =	vld [tilespmem:$0x10];
	_ =	sdelay $0x4  }
0x31: {  	v49 =	vshll.u32 v3, $0x3  }
0x32: {  	v3 =	vand.u32 $0x7, v3;
	v4 =	vand.u32 $0xFFFFFFC0, v49  }
0x33: {  	v3 =	vor.u32 v3, v4  }
0x34: {  	v4 =	vperm.xlane v3, v0;
	_ =	sdelay $0x1  }
0x35: {  	v4 =	vadd.s32 v1, v4;
	_ =	sdelay $0x4  }
0x36: {  	[tilespmem:s31], [sflag:$0x1] =	stream.indirect_vreg.gather [hbm4b:s3+s2], $0x80, v4, vm0, $0xb8;
	[tilespmem:$0x10100] =	vst v63  }
0x37: {  	s1 =	simm.s32 $0x4900;
	v3 =	vperm.xlane v3, v2  }
0x38: {  	[tilespmem:s1], [sflag:$0x1] =	stream.indirect_vreg.gather [hbm4b:s4+s2], $0x80, v4, vm0, $0xb8;
	[tilespmem:$0x10100] =	vst v63  }
0x39: {  	v3 =	vadd.s32 v1, v3  }
0x3a: {  	[tilespmem:s15], [sflag:$0x1] =	stream.indirect_vreg.gather [hbm4b:s5+s2], $0x80, v4, vm0, $0xb8;
	[tilespmem:$0x10100] =	vst v63  }
0x3b: {  	_ = 	snop  }
0x3c: {  	[tilespmem:s8], [sflag:$0x1] =	stream.indirect_vreg.gather [hbm4b:s6+s2], $0x80, v4, vm0, $0xb8;
	[tilespmem:$0x10100] =	vst v63  }
0x3d: {  	_ = 	snop  }
0x3e: {  	[tilespmem:s10], [sflag:$0x1] =	stream.indirect_vreg.gather [hbm4b:s3+s2], $0x80, v3, vm0, $0xb8;
	[tilespmem:$0x10100] =	vst v63  }
0x3f: {  	_ = 	snop  }
0x40: {  	[tilespmem:s11], [sflag:$0x1] =	stream.indirect_vreg.gather [hbm4b:s4+s2], $0x80, v3, vm0, $0xb8;
	[tilespmem:$0x10100] =	vst v63  }
0x41: {  	_ = 	snop  }
0x42: {  	[tilespmem:s12], [sflag:$0x1] =	stream.indirect_vreg.gather [hbm4b:s5+s2], $0x80, v3, vm0, $0xb8;
	[tilespmem:$0x10100] =	vst v63  }
0x43: {  	_ = 	snop  }
0x44: {  	[tilespmem:s13], [sflag:$0x1] =	stream.indirect_vreg.gather [hbm4b:s6+s2], $0x80, v3, vm0, $0xb8;
	[tilespmem:$0x10100] =	vst v63  }
0x45: {  	v3 =	vld [tilespmem:$0x20];
	_ =	sdelay $0x4  }
0x46: {  	v50 =	vshll.u32 v3, $0x3  }
0x47: {  	v3 =	vand.u32 $0x7, v3;
	v4 =	vand.u32 $0xFFFFFFC0, v50  }
0x48: {  	v3 =	vor.u32 v3, v4  }
0x49: {  	v4 =	vperm.xlane v3, v0;
	_ =	sdelay $0x1  }
0x4a: {  	v4 =	vadd.s32 v1, v4;
	_ =	sdelay $0x4  }
0x4b: {  	[tilespmem:s25], [sflag:$0x2] =	stream.indirect_vreg.gather [hbm4b:s3+s2], $0x80, v4, vm0, $0xb8;
	[tilespmem:$0x10100] =	vst v63  }
0x4c: {  	s14 =	simm.s32 $0x8900;
	v3 =	vperm.xlane v3, v2  }
0x4d: {  	[tilespmem:s14], [sflag:$0x2] =	stream.indirect_vreg.gather [hbm4b:s4+s2], $0x80, v4, vm0, $0xb8;
	[tilespmem:$0x10100] =	vst v63  }
0x4e: {  	s16 =	simm.s32 $0x9100;
	v3 =	vadd.s32 v1, v3  }
0x4f: {  	[tilespmem:s16], [sflag:$0x2] =	stream.indirect_vreg.gather [hbm4b:s5+s2], $0x80, v4, vm0, $0xb8;
	[tilespmem:$0x10100] =	vst v63  }
0x50: {  	s21 =	simm.s32 $0x9900  }
0x51: {  	[tilespmem:s21], [sflag:$0x2] =	stream.indirect_vreg.gather [hbm4b:s6+s2], $0x80, v4, vm0, $0xb8;
	[tilespmem:$0x10100] =	vst v63  }
0x52: {  	s16 =	simm.s32 $0xA100  }
0x53: {  	[tilespmem:s16], [sflag:$0x2] =	stream.indirect_vreg.gather [hbm4b:s3+s2], $0x80, v3, vm0, $0xb8;
	[tilespmem:$0x10100] =	vst v63  }
0x54: {  	s14 =	simm.s32 $0xA900  }
0x55: {  	[tilespmem:s14], [sflag:$0x2] =	stream.indirect_vreg.gather [hbm4b:s4+s2], $0x80, v3, vm0, $0xb8;
	[tilespmem:$0x10100] =	vst v63  }
0x56: {  	s16 =	simm.s32 $0xB100  }
0x57: {  	[tilespmem:s16], [sflag:$0x2] =	stream.indirect_vreg.gather [hbm4b:s5+s2], $0x80, v3, vm0, $0xb8;
	[tilespmem:$0x10100] =	vst v63  }
0x58: {  	s14 =	simm.s32 $0xB900  }
0x59: {  	[tilespmem:s14], [sflag:$0x2] =	stream.indirect_vreg.gather [hbm4b:s6+s2], $0x80, v3, vm0, $0xb8;
	[tilespmem:$0x10100] =	vst v63  }
0x5a: {  	v3 =	vld [tilespmem:$0x30];
	_ =	sdelay $0x4  }
0x5b: {  	v51 =	vshll.u32 v3, $0x3  }
0x5c: {  	v3 =	vand.u32 $0x7, v3;
	v4 =	vand.u32 $0xFFFFFFC0, v51  }
0x5d: {  	v3 =	vor.u32 v3, v4  }
0x5e: {  	v4 =	vperm.xlane v3, v0;
	_ =	sdelay $0x1  }
0x5f: {  	v4 =	vadd.s32 v1, v4;
	_ =	sdelay $0x3  }
0x60: {  	s16 =	simm.s32 $0xC100  }
0x61: {  	[tilespmem:s16], [sflag:$0x2] =	stream.indirect_vreg.gather [hbm4b:s3+s2], $0x80, v4, vm0, $0xb8;
	[tilespmem:$0x10100] =	vst v63  }
0x62: {  	s21 =	simm.s32 $0xC900;
	v3 =	vperm.xlane v3, v2  }
0x63: {  	[tilespmem:s21], [sflag:$0x2] =	stream.indirect_vreg.gather [hbm4b:s4+s2], $0x80, v4, vm0, $0xb8;
	[tilespmem:$0x10100] =	vst v63  }
0x64: {  	v3 =	vadd.s32 v1, v3;
	s21 =	simm.s32 $0xD100  }
0x65: {  	[tilespmem:s21], [sflag:$0x2] =	stream.indirect_vreg.gather [hbm4b:s5+s2], $0x80, v4, vm0, $0xb8;
	[tilespmem:$0x10100] =	vst v63  }
0x66: {  	s21 =	simm.s32 $0xD900  }
0x67: {  	[tilespmem:s21], [sflag:$0x2] =	stream.indirect_vreg.gather [hbm4b:s6+s2], $0x80, v4, vm0, $0xb8;
	[tilespmem:$0x10100] =	vst v63  }
0x68: {  	s21 =	simm.s32 $0xE100  }
0x69: {  	[tilespmem:s21], [sflag:$0x2] =	stream.indirect_vreg.gather [hbm4b:s3+s2], $0x80, v3, vm0, $0xb8;
	[tilespmem:$0x10100] =	vst v63  }
0x6a: {  	s21 =	simm.s32 $0xE900  }
0x6b: {  	[tilespmem:s21], [sflag:$0x2] =	stream.indirect_vreg.gather [hbm4b:s4+s2], $0x80, v3, vm0, $0xb8;
	[tilespmem:$0x10100] =	vst v63  }
0x6c: {  	s21 =	simm.s32 $0xF100  }
0x6d: {  	[tilespmem:s21], [sflag:$0x2] =	stream.indirect_vreg.gather [hbm4b:s5+s2], $0x80, v3, vm0, $0xb8;
	[tilespmem:$0x10100] =	vst v63  }
0x6e: {  	s21 =	simm.s32 $0xF900  }
0x6f: {  	[tilespmem:s21], [sflag:$0x2] =	stream.indirect_vreg.gather [hbm4b:s6+s2], $0x80, v3, vm0, $0xb8;
	[tilespmem:$0x10100] =	vst v63  }
0x70: {  	_ =	swait.ge [sflag:s17], $0x8000  }
0x71: {  	[sflag:s17] =	ssyncset.done $0x0  }
0x72: {  	s21 =	rddreg [dreg:$0x3];
	[sflag:s17] =	ssyncadd.s32 $0xFFFF8000  }
0x73: {  	[hbm4b:s21+s2] =	stream.linear.scatter [tilespmem:s9], [sflag:$0x3], $0x8000, $0x38;
	[tilespmem:$0x10100] =	vst v63  }
0x74: {  	_ =	swait.ge [sflag:s18], $0x8000  }
0x75: {  	[sflag:s18] =	ssyncset.done $0x0  }
0x76: {  	[sflag:s18] =	ssyncadd.s32 $0xFFFF8000  }
0x77: {  	v3 =	vld [tilespmem:$0x40];
	_ =	sdelay $0x4  }
0x78: {  	v52 =	vshll.u32 v3, $0x3  }
0x79: {  	v3 =	vand.u32 $0x7, v3;
	v4 =	vand.u32 $0xFFFFFFC0, v52  }
0x7a: {  	v3 =	vor.u32 v3, v4  }
0x7b: {  	v4 =	vperm.xlane v3, v0;
	_ =	sdelay $0x1  }
0x7c: {  	v4 =	vadd.s32 v1, v4;
	_ =	sdelay $0x4  }
0x7d: {  	[tilespmem:s9], [sflag:$0x1] =	stream.indirect_vreg.gather [hbm4b:s3+s2], $0x80, v4, vm0, $0xb8;
	[tilespmem:$0x10100] =	vst v63  }
0x7e: {  	v3 =	vperm.xlane v3, v2  }
0x7f: {  	[tilespmem:s22], [sflag:$0x1] =	stream.indirect_vreg.gather [hbm4b:s4+s2], $0x80, v4, vm0, $0xb8;
	[tilespmem:$0x10100] =	vst v63  }
0x80: {  	v3 =	vadd.s32 v1, v3  }
0x81: {  	[tilespmem:s23], [sflag:$0x1] =	stream.indirect_vreg.gather [hbm4b:s5+s2], $0x80, v4, vm0, $0xb8;
	[tilespmem:$0x10100] =	vst v63  }
0x82: {  	_ = 	snop  }
0x83: {  	[tilespmem:s24], [sflag:$0x1] =	stream.indirect_vreg.gather [hbm4b:s6+s2], $0x80, v4, vm0, $0xb8;
	[tilespmem:$0x10100] =	vst v63  }
0x84: {  	_ = 	snop  }
0x85: {  	[tilespmem:s26], [sflag:$0x1] =	stream.indirect_vreg.gather [hbm4b:s3+s2], $0x80, v3, vm0, $0xb8;
	[tilespmem:$0x10100] =	vst v63  }
0x86: {  	_ = 	snop  }
0x87: {  	[tilespmem:s28], [sflag:$0x1] =	stream.indirect_vreg.gather [hbm4b:s4+s2], $0x80, v3, vm0, $0xb8;
	[tilespmem:$0x10100] =	vst v63  }
0x88: {  	_ = 	snop  }
0x89: {  	[tilespmem:s29], [sflag:$0x1] =	stream.indirect_vreg.gather [hbm4b:s5+s2], $0x80, v3, vm0, $0xb8;
	[tilespmem:$0x10100] =	vst v63  }
0x8a: {  	_ = 	snop  }
0x8b: {  	[tilespmem:s30], [sflag:$0x1] =	stream.indirect_vreg.gather [hbm4b:s6+s2], $0x80, v3, vm0, $0xb8;
	[tilespmem:$0x10100] =	vst v63  }
0x8c: {  	v3 =	vld [tilespmem:$0x50];
	_ =	sdelay $0x4  }
0x8d: {  	v53 =	vshll.u32 v3, $0x3  }
0x8e: {  	v3 =	vand.u32 $0x7, v3;
	v4 =	vand.u32 $0xFFFFFFC0, v53  }
0x8f: {  	v3 =	vor.u32 v3, v4  }
0x90: {  	v4 =	vperm.xlane v3, v0;
	_ =	sdelay $0x1  }
0x91: {  	v4 =	vadd.s32 v1, v4;
	_ =	sdelay $0x4  }
0x92: {  	[tilespmem:s31], [sflag:$0x1] =	stream.indirect_vreg.gather [hbm4b:s3+s2], $0x80, v4, vm0, $0xb8;
	[tilespmem:$0x10100] =	vst v63  }
0x93: {  	v3 =	vperm.xlane v3, v2  }
0x94: {  	[tilespmem:s1], [sflag:$0x1] =	stream.indirect_vreg.gather [hbm4b:s4+s2], $0x80, v4, vm0, $0xb8;
	[tilespmem:$0x10100] =	vst v63  }
0x95: {  	v3 =	vadd.s32 v1, v3  }
0x96: {  	[tilespmem:s15], [sflag:$0x1] =	stream.indirect_vreg.gather [hbm4b:s5+s2], $0x80, v4, vm0, $0xb8;
	[tilespmem:$0x10100] =	vst v63  }
0x97: {  	_ = 	snop  }
0x98: {  	[tilespmem:s8], [sflag:$0x1] =	stream.indirect_vreg.gather [hbm4b:s6+s2], $0x80, v4, vm0, $0xb8;
	[tilespmem:$0x10100] =	vst v63  }
0x99: {  	_ = 	snop  }
0x9a: {  	[tilespmem:s10], [sflag:$0x1] =	stream.indirect_vreg.gather [hbm4b:s3+s2], $0x80, v3, vm0, $0xb8;
	[tilespmem:$0x10100] =	vst v63  }
0x9b: {  	_ = 	snop  }
0x9c: {  	[tilespmem:s11], [sflag:$0x1] =	stream.indirect_vreg.gather [hbm4b:s4+s2], $0x80, v3, vm0, $0xb8;
	[tilespmem:$0x10100] =	vst v63  }
0x9d: {  	_ = 	snop  }
0x9e: {  	[tilespmem:s12], [sflag:$0x1] =	stream.indirect_vreg.gather [hbm4b:s5+s2], $0x80, v3, vm0, $0xb8;
	[tilespmem:$0x10100] =	vst v63  }
0x9f: {  	_ = 	snop  }
0xa0: {  	[tilespmem:s13], [sflag:$0x1] =	stream.indirect_vreg.gather [hbm4b:s6+s2], $0x80, v3, vm0, $0xb8;
	[tilespmem:$0x10100] =	vst v63  }
0xa1: {  	_ =	swait.ge [sflag:s19], $0x8000  }
0xa2: {  	[sflag:s19] =	ssyncset.done $0x0  }
0xa3: {  	s21 =	rddreg [dreg:$0x4];
	[sflag:s19] =	ssyncadd.s32 $0xFFFF8000  }
0xa4: {  	[hbm4b:s21+s2] =	stream.linear.scatter [tilespmem:s25], [sflag:$0x4], $0x8000, $0x38;
	[tilespmem:$0x10100] =	vst v63  }
0xa5: {  	_ =	swait.ge [sflag:s20], $0x8000  }
0xa6: {  	[sflag:s20] =	ssyncset.done $0x0  }
0xa7: {  	[sflag:s20] =	ssyncadd.s32 $0xFFFF8000  }
0xa8: {  	v3 =	vld [tilespmem:$0x60];
	_ =	sdelay $0x4  }
0xa9: {  	v54 =	vshll.u32 v3, $0x3  }
0xaa: {  	v3 =	vand.u32 $0x7, v3;
	v4 =	vand.u32 $0xFFFFFFC0, v54  }
0xab: {  	v3 =	vor.u32 v3, v4  }
0xac: {  	v4 =	vperm.xlane v3, v0;
	_ =	sdelay $0x1  }
0xad: {  	v4 =	vadd.s32 v1, v4;
	_ =	sdelay $0x4  }
0xae: {  	[tilespmem:s25], [sflag:$0x2] =	stream.indirect_vreg.gather [hbm4b:s3+s2], $0x80, v4, vm0, $0xb8;
	[tilespmem:$0x10100] =	vst v63  }
0xaf: {  	s0 =	simm.s32 $0x8900;
	v3 =	vperm.xlane v3, v2  }
0xb0: {  	[tilespmem:s0], [sflag:$0x2] =	stream.indirect_vreg.gather [hbm4b:s4+s2], $0x80, v4, vm0, $0xb8;
	[tilespmem:$0x10100] =	vst v63  }
0xb1: {  	v3 =	vadd.s32 v1, v3;
	s0 =	simm.s32 $0x9100  }
0xb2: {  	[tilespmem:s0], [sflag:$0x2] =	stream.indirect_vreg.gather [hbm4b:s5+s2], $0x80, v4, vm0, $0xb8;
	[tilespmem:$0x10100] =	vst v63  }
0xb3: {  	s21 =	simm.s32 $0x9900  }
0xb4: {  	[tilespmem:s21], [sflag:$0x2] =	stream.indirect_vreg.gather [hbm4b:s6+s2], $0x80, v4, vm0, $0xb8;
	[tilespmem:$0x10100] =	vst v63  }
0xb5: {  	s21 =	simm.s32 $0xA100  }
0xb6: {  	[tilespmem:s21], [sflag:$0x2] =	stream.indirect_vreg.gather [hbm4b:s3+s2], $0x80, v3, vm0, $0xb8;
	[tilespmem:$0x10100] =	vst v63  }
0xb7: {  	s21 =	simm.s32 $0xA900  }
0xb8: {  	[tilespmem:s21], [sflag:$0x2] =	stream.indirect_vreg.gather [hbm4b:s4+s2], $0x80, v3, vm0, $0xb8;
	[tilespmem:$0x10100] =	vst v63  }
0xb9: {  	s21 =	simm.s32 $0xB100  }
0xba: {  	[tilespmem:s21], [sflag:$0x2] =	stream.indirect_vreg.gather [hbm4b:s5+s2], $0x80, v3, vm0, $0xb8;
	[tilespmem:$0x10100] =	vst v63  }
0xbb: {  	s14 =	simm.s32 $0xB900  }
0xbc: {  	[tilespmem:s14], [sflag:$0x2] =	stream.indirect_vreg.gather [hbm4b:s6+s2], $0x80, v3, vm0, $0xb8;
	[tilespmem:$0x10100] =	vst v63  }
0xbd: {  	v3 =	vld [tilespmem:$0x70];
	_ =	sdelay $0x4  }
0xbe: {  	v55 =	vshll.u32 v3, $0x3  }
0xbf: {  	v3 =	vand.u32 $0x7, v3;
	v4 =	vand.u32 $0xFFFFFFC0, v55  }
0xc0: {  	v3 =	vor.u32 v3, v4  }
0xc1: {  	v4 =	vperm.xlane v3, v0;
	_ =	sdelay $0x1  }
0xc2: {  	v4 =	vadd.s32 v1, v4;
	_ =	sdelay $0x3  }
0xc3: {  	s16 =	simm.s32 $0xC100  }
0xc4: {  	[tilespmem:s16], [sflag:$0x2] =	stream.indirect_vreg.gather [hbm4b:s3+s2], $0x80, v4, vm0, $0xb8;
	[tilespmem:$0x10100] =	vst v63  }
0xc5: {  	s21 =	simm.s32 $0xC900;
	v3 =	vperm.xlane v3, v2  }
0xc6: {  	[tilespmem:s21], [sflag:$0x2] =	stream.indirect_vreg.gather [hbm4b:s4+s2], $0x80, v4, vm0, $0xb8;
	[tilespmem:$0x10100] =	vst v63  }
0xc7: {  	v3 =	vadd.s32 v1, v3;
	s16 =	simm.s32 $0xD100  }
0xc8: {  	[tilespmem:s16], [sflag:$0x2] =	stream.indirect_vreg.gather [hbm4b:s5+s2], $0x80, v4, vm0, $0xb8;
	[tilespmem:$0x10100] =	vst v63  }
0xc9: {  	s21 =	simm.s32 $0xD900  }
0xca: {  	[tilespmem:s21], [sflag:$0x2] =	stream.indirect_vreg.gather [hbm4b:s6+s2], $0x80, v4, vm0, $0xb8;
	[tilespmem:$0x10100] =	vst v63  }
0xcb: {  	s16 =	simm.s32 $0xE100  }
0xcc: {  	[tilespmem:s16], [sflag:$0x2] =	stream.indirect_vreg.gather [hbm4b:s3+s2], $0x80, v3, vm0, $0xb8;
	[tilespmem:$0x10100] =	vst v63  }
0xcd: {  	s21 =	simm.s32 $0xE900  }
0xce: {  	[tilespmem:s21], [sflag:$0x2] =	stream.indirect_vreg.gather [hbm4b:s4+s2], $0x80, v3, vm0, $0xb8;
	[tilespmem:$0x10100] =	vst v63  }
0xcf: {  	s16 =	simm.s32 $0xF100  }
0xd0: {  	[tilespmem:s16], [sflag:$0x2] =	stream.indirect_vreg.gather [hbm4b:s5+s2], $0x80, v3, vm0, $0xb8;
	[tilespmem:$0x10100] =	vst v63  }
0xd1: {  	s21 =	simm.s32 $0xF900  }
0xd2: {  	[tilespmem:s21], [sflag:$0x2] =	stream.indirect_vreg.gather [hbm4b:s6+s2], $0x80, v3, vm0, $0xb8;
	[tilespmem:$0x10100] =	vst v63  }
0xd3: {  	_ =	swait.ge [sflag:s17], $0x8000  }
0xd4: {  	[sflag:s17] =	ssyncset.done $0x0  }
0xd5: {  	s16 =	rddreg [dreg:$0x5];
	[sflag:s17] =	ssyncadd.s32 $0xFFFF8000  }
0xd6: {  	[hbm4b:s16+s2] =	stream.linear.scatter [tilespmem:s9], [sflag:$0x3], $0x8000, $0x38;
	[tilespmem:$0x10100] =	vst v63  }
0xd7: {  	_ =	swait.ge [sflag:s18], $0x8000  }
0xd8: {  	[sflag:s18] =	ssyncset.done $0x0  }
0xd9: {  	[sflag:s18] =	ssyncadd.s32 $0xFFFF8000  }
0xda: {  	v3 =	vld [tilespmem:$0x80];
	_ =	sdelay $0x4  }
0xdb: {  	v56 =	vshll.u32 v3, $0x3  }
0xdc: {  	v3 =	vand.u32 $0x7, v3;
	v4 =	vand.u32 $0xFFFFFFC0, v56  }
0xdd: {  	v3 =	vor.u32 v3, v4  }
0xde: {  	v4 =	vperm.xlane v3, v0;
	_ =	sdelay $0x1  }
0xdf: {  	v4 =	vadd.s32 v1, v4;
	_ =	sdelay $0x4  }
0xe0: {  	[tilespmem:s9], [sflag:$0x1] =	stream.indirect_vreg.gather [hbm4b:s3+s2], $0x80, v4, vm0, $0xb8;
	[tilespmem:$0x10100] =	vst v63  }
0xe1: {  	v3 =	vperm.xlane v3, v2  }
0xe2: {  	[tilespmem:s22], [sflag:$0x1] =	stream.indirect_vreg.gather [hbm4b:s4+s2], $0x80, v4, vm0, $0xb8;
	[tilespmem:$0x10100] =	vst v63  }
0xe3: {  	v3 =	vadd.s32 v1, v3  }
0xe4: {  	[tilespmem:s23], [sflag:$0x1] =	stream.indirect_vreg.gather [hbm4b:s5+s2], $0x80, v4, vm0, $0xb8;
	[tilespmem:$0x10100] =	vst v63  }
0xe5: {  	_ = 	snop  }
0xe6: {  	[tilespmem:s24], [sflag:$0x1] =	stream.indirect_vreg.gather [hbm4b:s6+s2], $0x80, v4, vm0, $0xb8;
	[tilespmem:$0x10100] =	vst v63  }
0xe7: {  	_ = 	snop  }
0xe8: {  	[tilespmem:s26], [sflag:$0x1] =	stream.indirect_vreg.gather [hbm4b:s3+s2], $0x80, v3, vm0, $0xb8;
	[tilespmem:$0x10100] =	vst v63  }
0xe9: {  	_ = 	snop  }
0xea: {  	[tilespmem:s28], [sflag:$0x1] =	stream.indirect_vreg.gather [hbm4b:s4+s2], $0x80, v3, vm0, $0xb8;
	[tilespmem:$0x10100] =	vst v63  }
0xeb: {  	_ = 	snop  }
0xec: {  	[tilespmem:s29], [sflag:$0x1] =	stream.indirect_vreg.gather [hbm4b:s5+s2], $0x80, v3, vm0, $0xb8;
	[tilespmem:$0x10100] =	vst v63  }
0xed: {  	_ = 	snop  }
0xee: {  	[tilespmem:s30], [sflag:$0x1] =	stream.indirect_vreg.gather [hbm4b:s6+s2], $0x80, v3, vm0, $0xb8;
	[tilespmem:$0x10100] =	vst v63  }
0xef: {  	v3 =	vld [tilespmem:$0x90];
	_ =	sdelay $0x4  }
0xf0: {  	v57 =	vshll.u32 v3, $0x3  }
0xf1: {  	v3 =	vand.u32 $0x7, v3;
	v4 =	vand.u32 $0xFFFFFFC0, v57  }
0xf2: {  	v3 =	vor.u32 v3, v4  }
0xf3: {  	v4 =	vperm.xlane v3, v0;
	_ =	sdelay $0x1  }
0xf4: {  	v4 =	vadd.s32 v1, v4;
	_ =	sdelay $0x4  }
0xf5: {  	[tilespmem:s31], [sflag:$0x1] =	stream.indirect_vreg.gather [hbm4b:s3+s2], $0x80, v4, vm0, $0xb8;
	[tilespmem:$0x10100] =	vst v63  }
0xf6: {  	v3 =	vperm.xlane v3, v2  }
0xf7: {  	[tilespmem:s1], [sflag:$0x1] =	stream.indirect_vreg.gather [hbm4b:s4+s2], $0x80, v4, vm0, $0xb8;
	[tilespmem:$0x10100] =	vst v63  }
0xf8: {  	v3 =	vadd.s32 v1, v3  }
0xf9: {  	[tilespmem:s15], [sflag:$0x1] =	stream.indirect_vreg.gather [hbm4b:s5+s2], $0x80, v4, vm0, $0xb8;
	[tilespmem:$0x10100] =	vst v63  }
0xfa: {  	_ = 	snop  }
0xfb: {  	[tilespmem:s8], [sflag:$0x1] =	stream.indirect_vreg.gather [hbm4b:s6+s2], $0x80, v4, vm0, $0xb8;
	[tilespmem:$0x10100] =	vst v63  }
0xfc: {  	_ = 	snop  }
0xfd: {  	[tilespmem:s10], [sflag:$0x1] =	stream.indirect_vreg.gather [hbm4b:s3+s2], $0x80, v3, vm0, $0xb8;
	[tilespmem:$0x10100] =	vst v63  }
0xfe: {  	_ = 	snop  }
0xff: {  	[tilespmem:s11], [sflag:$0x1] =	stream.indirect_vreg.gather [hbm4b:s4+s2], $0x80, v3, vm0, $0xb8;
	[tilespmem:$0x10100] =	vst v63  }
0x100: {  	_ = 	snop  }
0x101: {  	[tilespmem:s12], [sflag:$0x1] =	stream.indirect_vreg.gather [hbm4b:s5+s2], $0x80, v3, vm0, $0xb8;
	[tilespmem:$0x10100] =	vst v63  }
0x102: {  	_ = 	snop  }
0x103: {  	[tilespmem:s13], [sflag:$0x1] =	stream.indirect_vreg.gather [hbm4b:s6+s2], $0x80, v3, vm0, $0xb8;
	[tilespmem:$0x10100] =	vst v63  }
0x104: {  	_ =	swait.ge [sflag:s19], $0x8000  }
0x105: {  	[sflag:s19] =	ssyncset.done $0x0  }
0x106: {  	s14 =	rddreg [dreg:$0x6];
	[sflag:s19] =	ssyncadd.s32 $0xFFFF8000  }
0x107: {  	[hbm4b:s14+s2] =	stream.linear.scatter [tilespmem:s25], [sflag:$0x4], $0x8000, $0x38;
	[tilespmem:$0x10100] =	vst v63  }
0x108: {  	_ =	swait.ge [sflag:s20], $0x8000  }
0x109: {  	[sflag:s20] =	ssyncset.done $0x0  }
0x10a: {  	[sflag:s20] =	ssyncadd.s32 $0xFFFF8000  }
0x10b: {  	v3 =	vld [tilespmem:$0xA0];
	_ =	sdelay $0x4  }
0x10c: {  	v58 =	vshll.u32 v3, $0x3  }
0x10d: {  	v3 =	vand.u32 $0x7, v3;
	v4 =	vand.u32 $0xFFFFFFC0, v58  }
0x10e: {  	v3 =	vor.u32 v3, v4  }
0x10f: {  	v4 =	vperm.xlane v3, v0;
	_ =	sdelay $0x1  }
0x110: {  	v4 =	vadd.s32 v1, v4;
	_ =	sdelay $0x4  }
0x111: {  	[tilespmem:s25], [sflag:$0x2] =	stream.indirect_vreg.gather [hbm4b:s3+s2], $0x80, v4, vm0, $0xb8;
	[tilespmem:$0x10100] =	vst v63  }
0x112: {  	s16 =	simm.s32 $0x8900;
	v3 =	vperm.xlane v3, v2  }
0x113: {  	[tilespmem:s16], [sflag:$0x2] =	stream.indirect_vreg.gather [hbm4b:s4+s2], $0x80, v4, vm0, $0xb8;
	[tilespmem:$0x10100] =	vst v63  }
0x114: {  	v3 =	vadd.s32 v1, v3  }
0x115: {  	[tilespmem:s0], [sflag:$0x2] =	stream.indirect_vreg.gather [hbm4b:s5+s2], $0x80, v4, vm0, $0xb8;
	[tilespmem:$0x10100] =	vst v63  }
0x116: {  	s21 =	simm.s32 $0x9900  }
0x117: {  	[tilespmem:s21], [sflag:$0x2] =	stream.indirect_vreg.gather [hbm4b:s6+s2], $0x80, v4, vm0, $0xb8;
	[tilespmem:$0x10100] =	vst v63  }
0x118: {  	s16 =	simm.s32 $0xA100  }
0x119: {  	[tilespmem:s16], [sflag:$0x2] =	stream.indirect_vreg.gather [hbm4b:s3+s2], $0x80, v3, vm0, $0xb8;
	[tilespmem:$0x10100] =	vst v63  }
0x11a: {  	s21 =	simm.s32 $0xA900  }
0x11b: {  	[tilespmem:s21], [sflag:$0x2] =	stream.indirect_vreg.gather [hbm4b:s4+s2], $0x80, v3, vm0, $0xb8;
	[tilespmem:$0x10100] =	vst v63  }
0x11c: {  	s21 =	simm.s32 $0xB100  }
0x11d: {  	[tilespmem:s21], [sflag:$0x2] =	stream.indirect_vreg.gather [hbm4b:s5+s2], $0x80, v3, vm0, $0xb8;
	[tilespmem:$0x10100] =	vst v63  }
0x11e: {  	s21 =	simm.s32 $0xB900  }
0x11f: {  	[tilespmem:s21], [sflag:$0x2] =	stream.indirect_vreg.gather [hbm4b:s6+s2], $0x80, v3, vm0, $0xb8;
	[tilespmem:$0x10100] =	vst v63  }
0x120: {  	v3 =	vld [tilespmem:$0xB0];
	_ =	sdelay $0x4  }
0x121: {  	v59 =	vshll.u32 v3, $0x3  }
0x122: {  	v3 =	vand.u32 $0x7, v3;
	v4 =	vand.u32 $0xFFFFFFC0, v59  }
0x123: {  	v3 =	vor.u32 v3, v4  }
0x124: {  	v4 =	vperm.xlane v3, v0;
	_ =	sdelay $0x1  }
0x125: {  	v4 =	vadd.s32 v1, v4;
	_ =	sdelay $0x3  }
0x126: {  	s21 =	simm.s32 $0xC100  }
0x127: {  	[tilespmem:s21], [sflag:$0x2] =	stream.indirect_vreg.gather [hbm4b:s3+s2], $0x80, v4, vm0, $0xb8;
	[tilespmem:$0x10100] =	vst v63  }
0x128: {  	v3 =	vperm.xlane v3, v2;
	s21 =	simm.s32 $0xC900  }
0x129: {  	[tilespmem:s21], [sflag:$0x2] =	stream.indirect_vreg.gather [hbm4b:s4+s2], $0x80, v4, vm0, $0xb8;
	[tilespmem:$0x10100] =	vst v63  }
0x12a: {  	v3 =	vadd.s32 v1, v3;
	s21 =	simm.s32 $0xD100  }
0x12b: {  	[tilespmem:s21], [sflag:$0x2] =	stream.indirect_vreg.gather [hbm4b:s5+s2], $0x80, v4, vm0, $0xb8;
	[tilespmem:$0x10100] =	vst v63  }
0x12c: {  	s21 =	simm.s32 $0xD900  }
0x12d: {  	[tilespmem:s21], [sflag:$0x2] =	stream.indirect_vreg.gather [hbm4b:s6+s2], $0x80, v4, vm0, $0xb8;
	[tilespmem:$0x10100] =	vst v63  }
0x12e: {  	s21 =	simm.s32 $0xE100  }
0x12f: {  	[tilespmem:s21], [sflag:$0x2] =	stream.indirect_vreg.gather [hbm4b:s3+s2], $0x80, v3, vm0, $0xb8;
	[tilespmem:$0x10100] =	vst v63  }
0x130: {  	s21 =	simm.s32 $0xE900  }
0x131: {  	[tilespmem:s21], [sflag:$0x2] =	stream.indirect_vreg.gather [hbm4b:s4+s2], $0x80, v3, vm0, $0xb8;
	[tilespmem:$0x10100] =	vst v63  }
0x132: {  	s21 =	simm.s32 $0xF100  }
0x133: {  	[tilespmem:s21], [sflag:$0x2] =	stream.indirect_vreg.gather [hbm4b:s5+s2], $0x80, v3, vm0, $0xb8;
	[tilespmem:$0x10100] =	vst v63  }
0x134: {  	s21 =	simm.s32 $0xF900  }
0x135: {  	[tilespmem:s21], [sflag:$0x2] =	stream.indirect_vreg.gather [hbm4b:s6+s2], $0x80, v3, vm0, $0xb8;
	[tilespmem:$0x10100] =	vst v63  }
0x136: {  	_ =	swait.ge [sflag:s17], $0x8000  }
0x137: {  	[sflag:s17] =	ssyncset.done $0x0  }
0x138: {  	s21 =	rddreg [dreg:$0x7];
	[sflag:s17] =	ssyncadd.s32 $0xFFFF8000  }
0x139: {  	[hbm4b:s21+s2] =	stream.linear.scatter [tilespmem:s9], [sflag:$0x3], $0x8000, $0x38;
	[tilespmem:$0x10100] =	vst v63  }
0x13a: {  	_ =	swait.ge [sflag:s18], $0x8000  }
0x13b: {  	[sflag:s18] =	ssyncset.done $0x0  }
0x13c: {  	[sflag:s18] =	ssyncadd.s32 $0xFFFF8000  }
0x13d: {  	v3 =	vld [tilespmem:$0xC0];
	_ =	sdelay $0x4  }
0x13e: {  	v60 =	vshll.u32 v3, $0x3  }
0x13f: {  	v3 =	vand.u32 $0x7, v3;
	v4 =	vand.u32 $0xFFFFFFC0, v60  }
0x140: {  	v3 =	vor.u32 v3, v4  }
0x141: {  	v4 =	vperm.xlane v3, v0;
	_ =	sdelay $0x1  }
0x142: {  	v4 =	vadd.s32 v1, v4;
	_ =	sdelay $0x4  }
0x143: {  	[tilespmem:s9], [sflag:$0x1] =	stream.indirect_vreg.gather [hbm4b:s3+s2], $0x80, v4, vm0, $0xb8;
	[tilespmem:$0x10100] =	vst v63  }
0x144: {  	v3 =	vperm.xlane v3, v2  }
0x145: {  	[tilespmem:s22], [sflag:$0x1] =	stream.indirect_vreg.gather [hbm4b:s4+s2], $0x80, v4, vm0, $0xb8;
	[tilespmem:$0x10100] =	vst v63  }
0x146: {  	v3 =	vadd.s32 v1, v3  }
0x147: {  	[tilespmem:s23], [sflag:$0x1] =	stream.indirect_vreg.gather [hbm4b:s5+s2], $0x80, v4, vm0, $0xb8;
	[tilespmem:$0x10100] =	vst v63  }
0x148: {  	_ = 	snop  }
0x149: {  	[tilespmem:s24], [sflag:$0x1] =	stream.indirect_vreg.gather [hbm4b:s6+s2], $0x80, v4, vm0, $0xb8;
	[tilespmem:$0x10100] =	vst v63  }
0x14a: {  	_ = 	snop  }
0x14b: {  	[tilespmem:s26], [sflag:$0x1] =	stream.indirect_vreg.gather [hbm4b:s3+s2], $0x80, v3, vm0, $0xb8;
	[tilespmem:$0x10100] =	vst v63  }
0x14c: {  	_ = 	snop  }
0x14d: {  	[tilespmem:s28], [sflag:$0x1] =	stream.indirect_vreg.gather [hbm4b:s4+s2], $0x80, v3, vm0, $0xb8;
	[tilespmem:$0x10100] =	vst v63  }
0x14e: {  	_ = 	snop  }
0x14f: {  	[tilespmem:s29], [sflag:$0x1] =	stream.indirect_vreg.gather [hbm4b:s5+s2], $0x80, v3, vm0, $0xb8;
	[tilespmem:$0x10100] =	vst v63  }
0x150: {  	_ = 	snop  }
0x151: {  	[tilespmem:s30], [sflag:$0x1] =	stream.indirect_vreg.gather [hbm4b:s6+s2], $0x80, v3, vm0, $0xb8;
	[tilespmem:$0x10100] =	vst v63  }
0x152: {  	v3 =	vld [tilespmem:$0xD0];
	_ =	sdelay $0x4  }
0x153: {  	v61 =	vshll.u32 v3, $0x3  }
0x154: {  	v3 =	vand.u32 $0x7, v3;
	v4 =	vand.u32 $0xFFFFFFC0, v61  }
0x155: {  	v3 =	vor.u32 v3, v4  }
0x156: {  	v4 =	vperm.xlane v3, v0;
	_ =	sdelay $0x1  }
0x157: {  	v4 =	vadd.s32 v1, v4;
	_ =	sdelay $0x4  }
0x158: {  	[tilespmem:s31], [sflag:$0x1] =	stream.indirect_vreg.gather [hbm4b:s3+s2], $0x80, v4, vm0, $0xb8;
	[tilespmem:$0x10100] =	vst v63  }
0x159: {  	v3 =	vperm.xlane v3, v2  }
0x15a: {  	[tilespmem:s1], [sflag:$0x1] =	stream.indirect_vreg.gather [hbm4b:s4+s2], $0x80, v4, vm0, $0xb8;
	[tilespmem:$0x10100] =	vst v63  }
0x15b: {  	v3 =	vadd.s32 v1, v3  }
0x15c: {  	[tilespmem:s15], [sflag:$0x1] =	stream.indirect_vreg.gather [hbm4b:s5+s2], $0x80, v4, vm0, $0xb8;
	[tilespmem:$0x10100] =	vst v63  }
0x15d: {  	_ = 	snop  }
0x15e: {  	[tilespmem:s8], [sflag:$0x1] =	stream.indirect_vreg.gather [hbm4b:s6+s2], $0x80, v4, vm0, $0xb8;
	[tilespmem:$0x10100] =	vst v63  }
0x15f: {  	_ = 	snop  }
0x160: {  	[tilespmem:s10], [sflag:$0x1] =	stream.indirect_vreg.gather [hbm4b:s3+s2], $0x80, v3, vm0, $0xb8;
	[tilespmem:$0x10100] =	vst v63  }
0x161: {  	_ = 	snop  }
0x162: {  	[tilespmem:s11], [sflag:$0x1] =	stream.indirect_vreg.gather [hbm4b:s4+s2], $0x80, v3, vm0, $0xb8;
	[tilespmem:$0x10100] =	vst v63  }
0x163: {  	_ = 	snop  }
0x164: {  	[tilespmem:s12], [sflag:$0x1] =	stream.indirect_vreg.gather [hbm4b:s5+s2], $0x80, v3, vm0, $0xb8;
	[tilespmem:$0x10100] =	vst v63  }
0x165: {  	_ = 	snop  }
0x166: {  	[tilespmem:s13], [sflag:$0x1] =	stream.indirect_vreg.gather [hbm4b:s6+s2], $0x80, v3, vm0, $0xb8;
	[tilespmem:$0x10100] =	vst v63  }
0x167: {  	_ =	swait.ge [sflag:s19], $0x8000  }
0x168: {  	[sflag:s19] =	ssyncset.done $0x0  }
0x169: {  	s1 =	rddreg [dreg:$0x8];
	[sflag:s19] =	ssyncadd.s32 $0xFFFF8000  }
0x16a: {  	[hbm4b:s1+s2] =	stream.linear.scatter [tilespmem:s25], [sflag:$0x4], $0x8000, $0x38;
	[tilespmem:$0x10100] =	vst v63  }
0x16b: {  	_ =	swait.ge [sflag:s20], $0x8000  }
0x16c: {  	[sflag:s20] =	ssyncset.done $0x0  }
0x16d: {  	[sflag:s20] =	ssyncadd.s32 $0xFFFF8000  }
0x16e: {  	v3 =	vld [tilespmem:$0xE0];
	_ =	sdelay $0x4  }
0x16f: {  	v62 =	vshll.u32 v3, $0x3  }
0x170: {  	v3 =	vand.u32 $0x7, v3;
	v4 =	vand.u32 $0xFFFFFFC0, v62  }
0x171: {  	v3 =	vor.u32 v3, v4  }
0x172: {  	v4 =	vperm.xlane v3, v0;
	_ =	sdelay $0x1  }
0x173: {  	v4 =	vadd.s32 v1, v4;
	_ =	sdelay $0x4  }
0x174: {  	[tilespmem:s25], [sflag:$0x2] =	stream.indirect_vreg.gather [hbm4b:s3+s2], $0x80, v4, vm0, $0xb8;
	[tilespmem:$0x10100] =	vst v63  }
0x175: {  	s21 =	simm.s32 $0x8900;
	v3 =	vperm.xlane v3, v2  }
0x176: {  	[tilespmem:s21], [sflag:$0x2] =	stream.indirect_vreg.gather [hbm4b:s4+s2], $0x80, v4, vm0, $0xb8;
	[tilespmem:$0x10100] =	vst v63  }
0x177: {  	s0 =	simm.s32 $0x9100;
	v3 =	vadd.s32 v1, v3  }
0x178: {  	[tilespmem:s0], [sflag:$0x2] =	stream.indirect_vreg.gather [hbm4b:s5+s2], $0x80, v4, vm0, $0xb8;
	[tilespmem:$0x10100] =	vst v63  }
0x179: {  	s1 =	simm.s32 $0x9900  }
0x17a: {  	[tilespmem:s1], [sflag:$0x2] =	stream.indirect_vreg.gather [hbm4b:s6+s2], $0x80, v4, vm0, $0xb8;
	[tilespmem:$0x10100] =	vst v63  }
0x17b: {  	s14 =	simm.s32 $0xA100  }
0x17c: {  	[tilespmem:s14], [sflag:$0x2] =	stream.indirect_vreg.gather [hbm4b:s3+s2], $0x80, v3, vm0, $0xb8;
	[tilespmem:$0x10100] =	vst v63  }
0x17d: {  	s16 =	simm.s32 $0xA900  }
0x17e: {  	[tilespmem:s16], [sflag:$0x2] =	stream.indirect_vreg.gather [hbm4b:s4+s2], $0x80, v3, vm0, $0xb8;
	[tilespmem:$0x10100] =	vst v63  }
0x17f: {  	s21 =	simm.s32 $0xB100  }
0x180: {  	[tilespmem:s21], [sflag:$0x2] =	stream.indirect_vreg.gather [hbm4b:s5+s2], $0x80, v3, vm0, $0xb8;
	[tilespmem:$0x10100] =	vst v63  }
0x181: {  	s1 =	simm.s32 $0xB900  }
0x182: {  	[tilespmem:s1], [sflag:$0x2] =	stream.indirect_vreg.gather [hbm4b:s6+s2], $0x80, v3, vm0, $0xb8;
	[tilespmem:$0x10100] =	vst v63  }
0x183: {  	v3 =	vld [tilespmem:$0xF0];
	_ =	sdelay $0x4  }
0x184: {  	v63 =	vshll.u32 v3, $0x3  }
0x185: {  	v3 =	vand.u32 $0x7, v3;
	v4 =	vand.u32 $0xFFFFFFC0, v63  }
0x186: {  	v3 =	vor.u32 v3, v4  }
0x187: {  	v4 =	vperm.xlane v3, v0;
	_ =	sdelay $0x1  }
0x188: {  	v4 =	vadd.s32 v1, v4;
	_ =	sdelay $0x3  }
0x189: {  	s14 =	simm.s32 $0xC100  }
0x18a: {  	[tilespmem:s14], [sflag:$0x2] =	stream.indirect_vreg.gather [hbm4b:s3+s2], $0x80, v4, vm0, $0xb8;
	[tilespmem:$0x10100] =	vst v63  }
0x18b: {  	s16 =	simm.s32 $0xC900;
	v3 =	vperm.xlane v3, v2  }
0x18c: {  	[tilespmem:s16], [sflag:$0x2] =	stream.indirect_vreg.gather [hbm4b:s4+s2], $0x80, v4, vm0, $0xb8;
	[tilespmem:$0x10100] =	vst v63  }
0x18d: {  	s21 =	simm.s32 $0xD100;
	v3 =	vadd.s32 v1, v3  }
0x18e: {  	[tilespmem:s21], [sflag:$0x2] =	stream.indirect_vreg.gather [hbm4b:s5+s2], $0x80, v4, vm0, $0xb8;
	[tilespmem:$0x10100] =	vst v63  }
0x18f: {  	s1 =	simm.s32 $0xD900  }
0x190: {  	[tilespmem:s1], [sflag:$0x2] =	stream.indirect_vreg.gather [hbm4b:s6+s2], $0x80, v4, vm0, $0xb8;
	[tilespmem:$0x10100] =	vst v63  }
0x191: {  	s14 =	simm.s32 $0xE100  }
0x192: {  	[tilespmem:s14], [sflag:$0x2] =	stream.indirect_vreg.gather [hbm4b:s3+s2], $0x80, v3, vm0, $0xb8;
	[tilespmem:$0x10100] =	vst v63  }
0x193: {  	s16 =	simm.s32 $0xE900  }
0x194: {  	[tilespmem:s16], [sflag:$0x2] =	stream.indirect_vreg.gather [hbm4b:s4+s2], $0x80, v3, vm0, $0xb8;
	[tilespmem:$0x10100] =	vst v63  }
0x195: {  	s21 =	simm.s32 $0xF100  }
0x196: {  	[tilespmem:s21], [sflag:$0x2] =	stream.indirect_vreg.gather [hbm4b:s5+s2], $0x80, v3, vm0, $0xb8;
	[tilespmem:$0x10100] =	vst v63  }
0x197: {  	s1 =	simm.s32 $0xF900  }
0x198: {  	[tilespmem:s1], [sflag:$0x2] =	stream.indirect_vreg.gather [hbm4b:s6+s2], $0x80, v3, vm0, $0xb8;
	[tilespmem:$0x10100] =	vst v63  }
0x199: {  	_ =	swait.ge [sflag:s17], $0x8000  }
0x19a: {  	[sflag:s17] =	ssyncset.done $0x0  }
0x19b: {  	s14 =	rddreg [dreg:$0x9];
	[sflag:s17] =	ssyncadd.s32 $0xFFFF8000  }
0x19c: {  	[hbm4b:s14+s2] =	stream.linear.scatter [tilespmem:s9], [sflag:$0x3], $0x8000, $0x38;
	[tilespmem:$0x10100] =	vst v63  }
0x19d: {  	_ =	swait.ge [sflag:s19], $0x8000  }
0x19e: {  	[sflag:s19] =	ssyncset.done $0x0  }
0x19f: {  	s16 =	rddreg [dreg:$0xa];
	[sflag:s19] =	ssyncadd.s32 $0xFFFF8000  }
0x1a0: {  	[hbm4b:s16+s2] =	stream.linear.scatter [tilespmem:s25], [sflag:$0x4], $0x8000, $0x38;
	[tilespmem:$0x10100] =	vst v63  }
0x1a1: {  	p0 =	sne.s32 s7, $0x1;
	_ =	swait.ge [sflag:s20], $0x8000  }
.Ltmp0:
0x1a2: {  	[sflag:s20] =	ssyncset.done $0x0;
	(pc) =	sbr.rel @p0 .LBB2_1-.Ltmp0, $4  }
0x1a3: {  	[sflag:s20] =	ssyncadd.s32 $0xFFFF8000  }
0x1a4: {  	_ =	swait.ge [sflag:s18], $0x8000  }
0x1a5: {  	[sflag:s18] =	ssyncset.done $0x0  }
0x1a6: {  	s7 =	sadd.s32 $0xFFFFFFFF, s7;
	[sflag:s18] =	ssyncadd.s32 $0xFFFF8000  }
0x1a7: {  	_ =	sfence.sel $0x180000  }
0x1a8: {  	[bflag:$0x0] =	sbarrier.arrive $0xFFFF  }
0x1a9: {  	_ =	strace $0x9000004A  }
0x1aa: {  	s0 =	stileid.u32;
	[bflag:$0x2] =	sbarrier.arrive $0xFFFF  }
0x1ab: {  	p0 =	sne.s32 s0, $0x0;
	s0 =	rddreg [dreg:$0x1]  }
0x1ac: {  	s0 =	sadd.s32 @!p0 $0x100000, s0  }
0x1ad: {  	[sflag:s0] =	ssyncadd.tile.s32 @!p0 $0x1;
	_ =	shalt  }
.Lfunc_end2:
_tile_overlayer_lowered:
.L_overlay_start_2:
0x1ae: {  	(tag) =	ssettag $0x2  }
0x1af: {  	s0 =	rddreg [dreg:$0x0];
	s2 =	stileid.u32  }
0x1b0: {  	s1 =	rddreg [dreg:$0x1];
	p0 =	sne.s32 s2, $0x0  }
0x1b1: {  	s3 =	rddreg [dreg:$0x2];
	[bflag:$0x3] =	sbarrier.arrive $0xFFFF;
	s2 =	simm.s32 @!p0 $0x1C05  }
0x1b2: {  	[timem:s3], [sflag:s2] =	dma.local @!p0 [hbm:s0], s1  }
0x1b3: {  	s0 =	simm.s32 @!p0 $0x5  }
0x1b4: {  	_ =	swait.ge @!p0 [sflag:s0], s1  }
0x1b5: {  	s1 =	ssub.s32 @!p0 $0x0, s1;
	[sflag:s0] =	ssyncset.done @!p0 $0x0  }
0x1b6: {  	[sflag:s0] =	ssyncadd.s32 @!p0 s1  }
0x1b7: {  	[bflag:$0x3] =	sbarrier.arrive $0xFFFF  }
0x1b8: {  	_ =	shalt  }

// kernel: kernel.7.cloned.1.call-start
scs
__scs_entry_jumppad:
0x0: {  	(pc) =	sbr.rel $0x88, $3  }
0x1: {  	(tag) =	ssettag $0x0;
	lr =	simm.s32 $0x1  }
0x2: {  	[smem:$0x3F9C] =	sst lr;
	_ =	strace $0xD0000000  }
0x3: {  	_ = 	snop  }
0x4: {  	_ = 	snop  }
0x5: {  	_ = 	snop  }
0x6: {  	_ = 	snop  }
0x7: {  	_ = 	snop  }
__scs_overlays_trampoline_lowered:
0x8: {  	[smem:$0x3FAB] =	sst s0  }
0x9: {  	[smem:$0x3FAC] =	sst s1  }
0xa: {  	[smem:$0x3FAD] =	sst s2  }
0xb: {  	[smem:$0x3FAE] =	sst s3  }
0xc: {  	[smem:$0x3FAF] =	sst s4  }
0xd: {  	[smem:$0x3FB0] =	sst s5  }
0xe: {  	[smem:$0x3FB1] =	sst s6  }
0xf: {  	[smem:$0x3FB2] =	sst s7  }
0x10: {  	[smem:$0x3FB3] =	sst s8  }
0x11: {  	[smem:$0x3FB4] =	sst s9;
	s0 =	simm.s32 @!p0 $0x0  }
0x12: {  	s1 =	sld [smem:$0x3F9A];
	s0 =	simm.s32 @p0 $0x1  }
0x13: {  	[smem:$0x3FB5] =	sst s0;
	s0 =	simm.s32 @!p1 $0x0  }
0x14: {  	s2 =	sld [smem:$0x3F99];
	s0 =	simm.s32 @p1 $0x1  }
0x15: {  	[smem:$0x3FB6] =	sst s0;
	s0 =	simm.s32 @!p2 $0x0  }
0x16: {  	s3 =	sld [smem:$0x3FDB];
	s0 =	simm.s32 @p2 $0x1  }
0x17: {  	s4 =	simm.s32 $0x1BF5;
	[smem:$0x3FB8] =	sst s0  }
0x18: {  	s0 =	sld [smem:$0x3F9B];
	_ =	swait.ge [sflag:s4], $0x0  }
0x19: {  	s7 =	sld [smem:$0x3F9C]  }
0x1a: {  	s8 =	sadd.s32 $0xFFFFE003, lr  }
0x1b: {  	s9 =	sadd.s32 $0xFFFFFEF7, lr;
	s5 =	simm.s32 $0xFFFFFFFF;
	p2 =	slt.u32 s8, $0xFFFFF086  }
0x1c: {  	p1 =	slt.u32 s9, $0xF7A;
	s5 =	simm.s32 @!p2 $0x0  }
0x1d: {  	s5 =	simm.s32 @p1 $0x1;
	p0 =	seq.s32 s7, s2  }
0x1e: {  	s7 =	smul.u32 @!p0 $0xF7A, s2;
	p2 =	seq.s32 @!p0 s5, $0x0  }
0x1f: {  	s9 =	smul.u32 $0xF7A, s1;
	s8 =	simm.s32 @!p0 $0x1BF5;
	p2 =	por !p2, p0  }
0x20: {  	[sflag:s8] =	ssyncset.s32 @!p0 $0xFFFFF086;
	s6 =	sadd.s32 @!p0 s3, s7;
	s7 =	simm.s32 @!p0 $0x108  }
0x21: {  	s3 =	sadd.s32 s3, s9;
	s6 =	sadd.s32 @!p0 $0x88, s6;
	s7 =	simm.s32 @p2 $0x1082  }
0x22: {  	[simem:s7], [sflag:s8] =	dma.local @!p0 [hbm:s6], $0xF7A  }
0x23: {  	s9 =	sor.u32 $0xD0000000, s2;
	s6 =	simm.s32 $0x108;
	_ =	swait.ge @!p0 [sflag:s8], $0x0  }
0x24: {  	s3 =	sadd.s32 $0x88, s3;
	s6 =	simm.s32 @!p1 $0x1082;
	[sflag:s4] =	ssyncset.s32 $0xFFFFF086  }
0x25: {  	[simem:s6], [sflag:s4] =	dma.local [hbm:s3], $0xF7A  }
0x26: {  	[smem:$0x3F9C] =	sst s1;
	(tag) =	ssettag s2;
	_ =	strace s9  }
0x27: {  	s1 =	sld [smem:$0x3FAC]  }
0x28: {  	s2 =	sld [smem:$0x3FAD]  }
0x29: {  	s4 =	sld [smem:$0x3FAF]  }
0x2a: {  	p0 =	seq.s32 s5, $0x0;
	s5 =	sld [smem:$0x3FB0]  }
0x2b: {  	s6 =	sld [smem:$0x3FB1]  }
0x2c: {  	s7 =	sld [smem:$0x3FB2]  }
0x2d: {  	s3 =	simm.s32 $0x108;
	s8 =	sld [smem:$0x3FB3]  }
0x2e: {  	s3 =	simm.s32 @!p0 $0x1082;
	s9 =	sld [smem:$0x3FB4]  }
0x2f: {  	lr =	sadd.s32 s0, s3;
	s0 =	sld [smem:$0x3FAB]  }
0x30: {  	s3 =	sld [smem:$0x3FAE]  }
0x31: {  	[smem:$0x3FB7] =	sst s10  }
0x32: {  	s10 =	sld [smem:$0x3FB5];
	_ =	sdelay $0x3  }
0x33: {  	p0 =	seq.s32 s10, $0x1;
	s10 =	sld [smem:$0x3FB7];
	_ =	sdelay $0x3  }
0x34: {  	[smem:$0x3FB7] =	sst s10  }
0x35: {  	s10 =	sld [smem:$0x3FB6];
	_ =	sdelay $0x3  }
0x36: {  	p1 =	seq.s32 s10, $0x1;
	s10 =	sld [smem:$0x3FB7];
	_ =	sdelay $0x3  }
0x37: {  	[smem:$0x3FB7] =	sst s10  }
0x38: {  	s10 =	sld [smem:$0x3FB8]  }
0x39: {  	_ = 	snop;
	(pc) =	sbr.ind lr, $3  }
0x3a: {  	_ = 	snop  }
0x3b: {  	_ = 	snop  }
0x3c: {  	p2 =	seq.s32 s10, $0x1;
	s10 =	sld [smem:$0x3FB7]  }
0x3d: {  	_ =	shalt  }
0x3e: {  	_ =	shalt  }
0x3f: {  	_ =	shalt  }
0x40: {  	_ =	shalt  }
0x41: {  	_ =	shalt  }
0x42: {  	_ =	shalt  }
0x43: {  	_ =	shalt  }
0x44: {  	_ =	shalt  }
0x45: {  	_ =	shalt  }
0x46: {  	_ =	shalt  }
0x47: {  	_ =	shalt  }
0x48: {  	_ =	shalt  }
0x49: {  	_ =	shalt  }
0x4a: {  	_ =	shalt  }
0x4b: {  	_ =	shalt  }
0x4c: {  	_ =	shalt  }
0x4d: {  	_ =	shalt  }
0x4e: {  	_ =	shalt  }
0x4f: {  	_ =	shalt  }
0x50: {  	_ =	shalt  }
0x51: {  	_ =	shalt  }
0x52: {  	_ =	shalt  }
0x53: {  	_ =	shalt  }
0x54: {  	_ =	shalt  }
0x55: {  	_ =	shalt  }
0x56: {  	_ =	shalt  }
0x57: {  	_ =	shalt  }
0x58: {  	_ =	shalt  }
0x59: {  	_ =	shalt  }
0x5a: {  	_ =	shalt  }
0x5b: {  	_ =	shalt  }
0x5c: {  	_ =	shalt  }
0x5d: {  	_ =	shalt  }
0x5e: {  	_ =	shalt  }
0x5f: {  	_ =	shalt  }
0x60: {  	_ =	shalt  }
0x61: {  	_ =	shalt  }
0x62: {  	_ =	shalt  }
0x63: {  	_ =	shalt  }
0x64: {  	_ =	shalt  }
0x65: {  	_ =	shalt  }
0x66: {  	_ =	shalt  }
0x67: {  	_ =	shalt  }
0x68: {  	_ =	shalt  }
0x69: {  	_ =	shalt  }
0x6a: {  	_ =	shalt  }
0x6b: {  	_ =	shalt  }
0x6c: {  	_ =	shalt  }
0x6d: {  	_ =	shalt  }
0x6e: {  	_ =	shalt  }
0x6f: {  	_ =	shalt  }
0x70: {  	_ =	shalt  }
0x71: {  	_ =	shalt  }
0x72: {  	_ =	shalt  }
0x73: {  	_ =	shalt  }
0x74: {  	_ =	shalt  }
0x75: {  	_ =	shalt  }
0x76: {  	_ =	shalt  }
0x77: {  	_ =	shalt  }
0x78: {  	_ =	shalt  }
0x79: {  	_ =	shalt  }
0x7a: {  	_ =	shalt  }
0x7b: {  	_ =	shalt  }
0x7c: {  	_ =	shalt  }
0x7d: {  	_ =	shalt  }
0x7e: {  	_ =	shalt  }
0x7f: {  	_ =	shalt  }
0x80: {  	_ =	shalt  }
0x81: {  	_ =	shalt  }
0x82: {  	_ =	shalt  }
0x83: {  	_ =	shalt  }
0x84: {  	_ =	shalt  }
0x85: {  	_ =	shalt  }
0x86: {  	_ =	shalt  }
0x87: {  	_ =	shalt  }
.Lfunc_end0:
.L_simem_size_0:
called_computation_lowered:
.L_overlay_start_0:
0x88: {  	s2 =	sld [smem:$0x3FD9]  }
0x89: {  	s3 =	sld [smem:$0x3FFE];
	_ =	sdelay $0x1  }
0x8a: {  	s1 =	srdreg.scid  }
0x8b: {  	s0 =	sand.u32 $0x1, s1  }
0x8c: {  	s17 =	sshll.u32 s0, $0xA;
	s2 =	sadd.s32 s3, s2  }
0x8d: {  	s2 =	sadd.s32 s2, s17  }
0x8e: {  	[smem:$0x3FC3] =	sst s2  }
0x8f: {  	_ = 	snop  }
0x90: {  	s2 =	sld [smem:$0x3FC9];
	(tm) =	ssettm $0x1  }
0x91: {  	s18 =	sld [smem:$0x3FFB];
	_ =	sdelay $0x3  }
0x92: {  	_ =	strace s18  }
0x93: {  	s3 =	sld [smem:$0x3FFC];
	_ =	sdelay $0x3  }
0x94: {  	_ =	strace s3  }
0x95: {  	s3 =	sld [smem:$0x3FFD];
	_ =	sdelay $0x3  }
0x96: {  	_ =	strace s3  }
0x97: {  	_ =	strace $0x8FFFFFFF  }
0x98: {  	s19 =	sld [smem:$0x3FDB];
	_ =	sdelay $0x1  }
0x99: {  	s4 =	simm.s32 $_scs_section_size  }
0x9a: {  	s5 =	simm.s32 $_size__tile_overlayer_lowered;
	s6 =	simm.s32 $_tile_overlayer_lowered  }
0x9b: {  	s22 =	simm.s32 $0x1BFF;
	s21 =	sshll.u32 s6, $0x1;
	s3 =	sadd.s32 s4, s19  }
0x9c: {  	s7 =	simm.s32 $0x0;
	s20 =	sshll.u32 s5, $0x1;
	s5 =	sadd.s32 s21, s3  }
0x9d: {  	[timem:s7], [sflag:s22] =	dma.local [hbm:s5], s20  }
0x9e: {  	_ =	swait.ge [sflag:s22], s20  }
0x9f: {  	s4 =	ssub.s32 $0x0, s20;
	[sflag:s22] =	ssyncset.done $0x0  }
0xa0: {  	[sflag:s22] =	ssyncadd.s32 s4;
	_ =	sdelay $0x1  }
0xa1: {  	s23 =	simm.s32 $0x1B8B  }
0xa2: {  	_ =	swait.ge [sflag:s23], $0x1  }
0xa3: {  	[sflag:s23] =	ssyncset.done $0x0  }
0xa4: {  	s25 =	simm.s32 $0x1B8E;
	s24 =	sld [smem:$0x3FFE];
	[sflag:s23] =	ssyncadd.s32 $0xFFFFFFFF  }
0xa5: {  	s26 =	simm.s32 $execute0_lowered;
	[smem:$0x3FD2] =	sst s25  }
0xa6: {  	s5 =	sshll.u32 s26, $0x1;
	_ =	strace $0x80000046;
	[dreg:$0x1] =	wrdreg $0xFFFFFFFF  }
0xa7: {  	s28 =	simm.s32 $_size_execute0_lowered;
	s3 =	sadd.s32 s3, s5;
	[dreg:$0x0] =	wrdreg $0x0  }
0xa8: {  	s5 =	sshll.u32 s28, $0x1;
	[dreg:$0x2] =	wrdreg s3  }
0xa9: {  	[dreg:$0x3] =	wrdreg s5  }
0xaa: {  	[dreg:$0x4] =	wrdreg $0xC0  }
0xab: {  	_ =	task [dreg:s7], $0x5FFFF  }
0xac: {  	[dreg:$0x1] =	wrdreg $0xFFFFFFFF  }
0xad: {  	[dreg:$0x0] =	wrdreg $0x60  }
0xae: {  	[dreg:$0x2] =	wrdreg s2  }
0xaf: {  	[dreg:$0x3] =	wrdreg s24  }
0xb0: {  	[dreg:$0x4] =	wrdreg $0x9  }
0xb1: {  	_ =	task.clear_ibuf [dreg:s7], $0x5FFFF;
	_ =	strace $0x90000046  }
0xb2: {  	s29 =	simm.s32 $0x9;
	_ =	strace $0x80000048  }
0xb3: {  	_ =	swait.ge [sflag:s29], $0x1  }
0xb4: {  	[sflag:s29] =	ssyncadd.s32 $0xFFFFFFFF  }
0xb5: {  	_ =	strace $0x90000048  }
0xb6: {  	_ =	sfence  }
0xb7: {  	s30 =	sld [smem:$0x0];
	_ =	sdelay $0x2  }
0xb8: {  	s31 =	sshll.u32 s1, $0xD;
	s1 =	sshrl.u32 s1, $0x2  }
0xb9: {  	s3 =	sand.u32 $0x4000, s31;
	s1 =	sadd.s32 s1, s30  }
0xba: {  	s0 =	sor.u32 s3, s0;
	s1 =	sshll.u32 s1, $0x11  }
0xbb: {  	s0 =	sor.u32 s1, s0  }
0xbc: {  	s0 =	sadd.s32 $0x8F2B, s0  }
0xbd: {  	[sflag:s0] =	ssyncadd.remote.s32 $0x1  }
0xbe: {  	_ =	sfence.sel $0xFFFF  }
0xbf: {  	[dreg:$0x0] =	wrdreg $0xFFFFFFFF;
	(pc) =	sbr.abs _section_cstart, $3  }
0xc0: {  	[dreg:$0x1] =	wrdreg $0xFFFFFFFF  }
0xc1: {  	_ =	task.clear_ibuf [dreg:s7], $0x2FFFF;
	_ =	strace $0x9FFFFFFF  }
0xc2: {  	(tm) =	ssettm $0x7FFFFFFF  }
0xc3: {  	_ =	shalt  }
tec
execute0_lowered:
.L_overlay_start_1:
0x0: {  	(tag) =	ssettag $0x1  }
0x1: {  	s0 =	rddreg [dreg:$0x0]  }
0x2: {  	s1 =	rddreg [dreg:$0x1];
	s3 =	srdreg.scid  }
0x3: {  	s5 =	stileid.u32;
	s2 =	simm.s32 $0x0;
	s30 =	simm.s32 $0x200  }
0x4: {  	s29 =	simm.s32 $0x3400;
	s28 =	simm.s32 $0x5400;
	s31 =	simm.s32 $0x5C00  }
0x5: {  	s4 =	sand.u32 $0x1, s3;
	s21 =	sshll.u32 s5, $0x1;
	[smem:$0x7FF] =	sst s2  }
0x6: {  	s5 =	sor.u32 s4, s21;
	_ =	strace $0x80000047;
	s4 =	ssub.s32 $0x2, s4  }
0x7: {  	[dreg:$0x8] =	wrdreg s30;
	s3 =	sshll.u32 s5, $0x6;
	s5 =	sshll.u32 s5, $0xE  }
0x8: {  	s7 =	sshrl.u32 s4, $0x1;
	s6 =	sadd.s32 s3, s1;
	s22 =	sadd.s32 s0, s5  }
0x9: {  	s3 =	sadd.s32 $0x1A00, s1;
	s8 =	sadd.s32 $0xA00, s6;
	[dreg:$0x9] =	wrdreg s22  }
0xa: {  	s23 =	ssub.s32 s4, s7;
	s6 =	sadd.s32 $0x1200, s6;
	[dreg:$0x3] =	wrdreg s8  }
0xb: {  	s5 =	sadd.s32 $0x1B00, s1;
	s24 =	sadd.s32 $0x1000, s22;
	[dreg:$0x4] =	wrdreg s6  }
0xc: {  	v2 =	vlaneseq.u32;
	s7 =	sadd.s32 $0x1D00, s1;
	s25 =	sadd.s32 $0x2000, s22;
	[dreg:$0x5] =	wrdreg s24  }
0xd: {  	vm0 =	vmmov $0xffff;
	v1 =	vshrl.u32 v2, $0x3;
	s26 =	sadd.s32 $0x3000, s22;
	s19 =	smax.u32 s23, $0x1;
	[dreg:$0x6] =	wrdreg s25  }
0xe: {  	v0 =	vand.u32 $0x7, v2;
	v2 =	vor.u32 $0x8, v2;
	v1 =	vmul.u32 $0x8, v1;
	s6 =	sadd.s32 $0x1C00, s1;
	[dreg:$0x7] =	wrdreg s26;
	s24 =	simm.s32 $0x3C00  }
.LBB2_1:
0xf: {  	s25 =	rddreg [dreg:$0x3];
	s0 =	simm.s32 $0x5  }
0x10: {  	[tilespmem:s2], [sflag:$0x5] =	stream.linear.gather [hbm4b:s25+s2], $0x200, $0x38;
	[tilespmem:$0x10400] =	vst v63  }
0x11: {  	_ =	swait.ge [sflag:s0], $0x200  }
0x12: {  	s10 =	rddreg [dreg:$0x4];
	[sflag:s0] =	ssyncset.done $0x0  }
0x13: {  	s26 =	rddreg [dreg:$0x8];
	[sflag:s0] =	ssyncadd.s32 $0xFFFFFE00  }
0x14: {  	[tilespmem:s26], [sflag:$0x5] =	stream.linear.gather [hbm4b:s10+s2], $0x200, $0x38;
	[tilespmem:$0x10400] =	vst v63  }
0x15: {  	_ =	swait.ge [sflag:s0], $0x200  }
0x16: {  	[sflag:s0] =	ssyncset.done $0x0  }
0x17: {  	s13 =	simm.s32 $0x400;
	s12 =	rddreg [dreg:$0x9];
	[sflag:s0] =	ssyncadd.s32 $0xFFFFFE00  }
0x18: {  	[tilespmem:s13], [sflag:$0x1] =	stream.linear.gather [hbm4b:s12+s2], $0x8000, $0x38;
	[tilespmem:$0x10400] =	vst v63  }
0x19: {  	s14 =	simm.s32 $0x8400;
	s30 =	simm.s32 $0x1;
	s11 =	rddreg [dreg:$0x5]  }
0x1a: {  	[tilespmem:s14], [sflag:$0x2] =	stream.linear.gather [hbm4b:s11+s2], $0x8000, $0x38;
	[tilespmem:$0x10400] =	vst v63  }
0x1b: {  	_ =	swait.ge [sflag:s30], $0x8000  }
0x1c: {  	[sflag:s30] =	ssyncset.done $0x0  }
0x1d: {  	[sflag:s30] =	ssyncadd.s32 $0xFFFF8000  }
0x1e: {  	v3 =	vld [tilespmem:$0x0];
	_ =	sdelay $0x4  }
0x1f: {  	v4 =	vshll.u32 v3, $0x3  }
0x20: {  	v3 =	vand.u32 $0x7, v3;
	v4 =	vand.u32 $0xFFFFFFC0, v4  }
0x21: {  	v3 =	vor.u32 v3, v4  }
0x22: {  	v4 =	vperm.xlane v3, v0;
	_ =	sdelay $0x1  }
0x23: {  	v4 =	vadd.s32 v1, v4;
	_ =	sdelay $0x3  }
0x24: {  	s26 =	simm.s32 $0x400  }
0x25: {  	[hbm4b:s3+s2] =	stream.indirect_vreg.scatter [tilespmem:s26], [sflag:$0x3], $0x80, v4, vm0, $0xb8;
	[tilespmem:$0x10400] =	vst v63  }
0x26: {  	s15 =	simm.s32 $0xC00;
	v3 =	vperm.xlane v3, v2  }
0x27: {  	[hbm4b:s5+s2] =	stream.indirect_vreg.scatter [tilespmem:s15], [sflag:$0x3], $0x80, v4, vm0, $0xb8;
	[tilespmem:$0x10400] =	vst v63  }
0x28: {  	s16 =	simm.s32 $0x1400;
	v3 =	vadd.s32 v1, v3  }
0x29: {  	[hbm4b:s6+s2] =	stream.indirect_vreg.scatter [tilespmem:s16], [sflag:$0x3], $0x80, v4, vm0, $0xb8;
	[tilespmem:$0x10400] =	vst v63  }
0x2a: {  	s17 =	simm.s32 $0x1C00  }
0x2b: {  	[hbm4b:s7+s2] =	stream.indirect_vreg.scatter [tilespmem:s17], [sflag:$0x3], $0x80, v4, vm0, $0xb8;
	[tilespmem:$0x10400] =	vst v63  }
0x2c: {  	s18 =	simm.s32 $0x2400  }
0x2d: {  	[hbm4b:s3+s2] =	stream.indirect_vreg.scatter [tilespmem:s18], [sflag:$0x3], $0x80, v3, vm0, $0xb8;
	[tilespmem:$0x10400] =	vst v63  }
0x2e: {  	s21 =	simm.s32 $0x2C00  }
0x2f: {  	[hbm4b:s5+s2] =	stream.indirect_vreg.scatter [tilespmem:s21], [sflag:$0x3], $0x80, v3, vm0, $0xb8;
	[tilespmem:$0x10400] =	vst v63  }
0x30: {  	s23 =	simm.s32 $0x3400  }
0x31: {  	[hbm4b:s6+s2] =	stream.indirect_vreg.scatter [tilespmem:s23], [sflag:$0x3], $0x80, v3, vm0, $0xb8;
	[tilespmem:$0x10400] =	vst v63  }
0x32: {  	s25 =	simm.s32 $0x3C00  }
0x33: {  	[hbm4b:s7+s2] =	stream.indirect_vreg.scatter [tilespmem:s25], [sflag:$0x3], $0x80, v3, vm0, $0xb8;
	[tilespmem:$0x10400] =	vst v63  }
0x34: {  	v3 =	vld [tilespmem:$0x10];
	_ =	sdelay $0x4  }
0x35: {  	v49 =	vshll.u32 v3, $0x3  }
0x36: {  	v3 =	vand.u32 $0x7, v3;
	v4 =	vand.u32 $0xFFFFFFC0, v49  }
0x37: {  	v3 =	vor.u32 v3, v4  }
0x38: {  	v4 =	vperm.xlane v3, v0;
	_ =	sdelay $0x1  }
0x39: {  	v4 =	vadd.s32 v1, v4;
	_ =	sdelay $0x3  }
0x3a: {  	s9 =	simm.s32 $0x4400  }
0x3b: {  	[hbm4b:s3+s2] =	stream.indirect_vreg.scatter [tilespmem:s9], [sflag:$0x3], $0x80, v4, vm0, $0xb8;
	[tilespmem:$0x10400] =	vst v63  }
0x3c: {  	s10 =	simm.s32 $0x4C00;
	v3 =	vperm.xlane v3, v2  }
0x3d: {  	[hbm4b:s5+s2] =	stream.indirect_vreg.scatter [tilespmem:s10], [sflag:$0x3], $0x80, v4, vm0, $0xb8;
	[tilespmem:$0x10400] =	vst v63  }
0x3e: {  	s11 =	simm.s32 $0x5400;
	v3 =	vadd.s32 v1, v3  }
0x3f: {  	[hbm4b:s6+s2] =	stream.indirect_vreg.scatter [tilespmem:s11], [sflag:$0x3], $0x80, v4, vm0, $0xb8;
	[tilespmem:$0x10400] =	vst v63  }
0x40: {  	s12 =	simm.s32 $0x5C00  }
0x41: {  	[hbm4b:s7+s2] =	stream.indirect_vreg.scatter [tilespmem:s12], [sflag:$0x3], $0x80, v4, vm0, $0xb8;
	[tilespmem:$0x10400] =	vst v63  }
0x42: {  	s13 =	simm.s32 $0x6400  }
0x43: {  	[hbm4b:s3+s2] =	stream.indirect_vreg.scatter [tilespmem:s13], [sflag:$0x3], $0x80, v3, vm0, $0xb8;
	[tilespmem:$0x10400] =	vst v63  }
0x44: {  	s15 =	simm.s32 $0x6C00  }
0x45: {  	[hbm4b:s5+s2] =	stream.indirect_vreg.scatter [tilespmem:s15], [sflag:$0x3], $0x80, v3, vm0, $0xb8;
	[tilespmem:$0x10400] =	vst v63  }
0x46: {  	s21 =	simm.s32 $0x7400  }
0x47: {  	[hbm4b:s6+s2] =	stream.indirect_vreg.scatter [tilespmem:s21], [sflag:$0x3], $0x80, v3, vm0, $0xb8;
	[tilespmem:$0x10400] =	vst v63  }
0x48: {  	s23 =	simm.s32 $0x7C00  }
0x49: {  	[hbm4b:s7+s2] =	stream.indirect_vreg.scatter [tilespmem:s23], [sflag:$0x3], $0x80, v3, vm0, $0xb8;
	[tilespmem:$0x10400] =	vst v63  }
0x4a: {  	v3 =	vld [tilespmem:$0x200];
	_ =	sdelay $0x4  }
0x4b: {  	v50 =	vshll.u32 v3, $0x3  }
0x4c: {  	v3 =	vand.u32 $0x7, v3;
	v4 =	vand.u32 $0xFFFFFFC0, v50  }
0x4d: {  	v3 =	vor.u32 v3, v4  }
0x4e: {  	v4 =	vperm.xlane v3, v0;
	_ =	sdelay $0x1  }
0x4f: {  	v4 =	vadd.s32 v1, v4;
	_ =	sdelay $0x4  }
0x50: {  	[hbm4b:s3+s2] =	stream.indirect_vreg.scatter [tilespmem:s26], [sflag:$0x3], $0x80, v4, vm0, $0xb8;
	[tilespmem:$0x10400] =	vst v63  }
0x51: {  	s22 =	simm.s32 $0xC00;
	v3 =	vperm.xlane v3, v2  }
0x52: {  	[hbm4b:s5+s2] =	stream.indirect_vreg.scatter [tilespmem:s22], [sflag:$0x3], $0x80, v4, vm0, $0xb8;
	[tilespmem:$0x10400] =	vst v63  }
0x53: {  	s14 =	simm.s32 $0x1400;
	v3 =	vadd.s32 v1, v3  }
0x54: {  	[hbm4b:s6+s2] =	stream.indirect_vreg.scatter [tilespmem:s14], [sflag:$0x3], $0x80, v4, vm0, $0xb8;
	[tilespmem:$0x10400] =	vst v63  }
0x55: {  	s20 =	simm.s32 $0x1C00  }
0x56: {  	[hbm4b:s7+s2] =	stream.indirect_vreg.scatter [tilespmem:s20], [sflag:$0x3], $0x80, v4, vm0, $0xb8;
	[tilespmem:$0x10400] =	vst v63  }
0x57: {  	s1 =	simm.s32 $0x2400  }
0x58: {  	[hbm4b:s3+s2] =	stream.indirect_vreg.scatter [tilespmem:s1], [sflag:$0x3], $0x80, v3, vm0, $0xb8;
	[tilespmem:$0x10400] =	vst v63  }
0x59: {  	s4 =	simm.s32 $0x2C00  }
0x5a: {  	[hbm4b:s5+s2] =	stream.indirect_vreg.scatter [tilespmem:s4], [sflag:$0x3], $0x80, v3, vm0, $0xb8;
	[tilespmem:$0x10400] =	vst v63  }
0x5b: {  	s8 =	simm.s32 $0x3400  }
0x5c: {  	[hbm4b:s6+s2] =	stream.indirect_vreg.scatter [tilespmem:s8], [sflag:$0x3], $0x80, v3, vm0, $0xb8;
	[tilespmem:$0x10400] =	vst v63  }
0x5d: {  	s16 =	simm.s32 $0x3C00  }
0x5e: {  	[hbm4b:s7+s2] =	stream.indirect_vreg.scatter [tilespmem:s16], [sflag:$0x3], $0x80, v3, vm0, $0xb8;
	[tilespmem:$0x10400] =	vst v63  }
0x5f: {  	v3 =	vld [tilespmem:$0x210];
	_ =	sdelay $0x4  }
0x60: {  	v51 =	vshll.u32 v3, $0x3  }
0x61: {  	v3 =	vand.u32 $0x7, v3;
	v4 =	vand.u32 $0xFFFFFFC0, v51  }
0x62: {  	v3 =	vor.u32 v3, v4  }
0x63: {  	v4 =	vperm.xlane v3, v0;
	_ =	sdelay $0x1  }
0x64: {  	v4 =	vadd.s32 v1, v4;
	_ =	sdelay $0x3  }
0x65: {  	s17 =	simm.s32 $0x4400  }
0x66: {  	[hbm4b:s3+s2] =	stream.indirect_vreg.scatter [tilespmem:s17], [sflag:$0x3], $0x80, v4, vm0, $0xb8;
	[tilespmem:$0x10400] =	vst v63  }
0x67: {  	s18 =	simm.s32 $0x4C00;
	v3 =	vperm.xlane v3, v2  }
0x68: {  	[hbm4b:s5+s2] =	stream.indirect_vreg.scatter [tilespmem:s18], [sflag:$0x3], $0x80, v4, vm0, $0xb8;
	[tilespmem:$0x10400] =	vst v63  }
0x69: {  	s9 =	simm.s32 $0x5400;
	v3 =	vadd.s32 v1, v3  }
0x6a: {  	[hbm4b:s6+s2] =	stream.indirect_vreg.scatter [tilespmem:s9], [sflag:$0x3], $0x80, v4, vm0, $0xb8;
	[tilespmem:$0x10400] =	vst v63  }
0x6b: {  	s10 =	simm.s32 $0x5C00  }
0x6c: {  	[hbm4b:s7+s2] =	stream.indirect_vreg.scatter [tilespmem:s10], [sflag:$0x3], $0x80, v4, vm0, $0xb8;
	[tilespmem:$0x10400] =	vst v63  }
0x6d: {  	s11 =	simm.s32 $0x6400  }
0x6e: {  	[hbm4b:s3+s2] =	stream.indirect_vreg.scatter [tilespmem:s11], [sflag:$0x3], $0x80, v3, vm0, $0xb8;
	[tilespmem:$0x10400] =	vst v63  }
0x6f: {  	s12 =	simm.s32 $0x6C00  }
0x70: {  	[hbm4b:s5+s2] =	stream.indirect_vreg.scatter [tilespmem:s12], [sflag:$0x3], $0x80, v3, vm0, $0xb8;
	[tilespmem:$0x10400] =	vst v63  }
0x71: {  	s13 =	simm.s32 $0x7400  }
0x72: {  	[hbm4b:s6+s2] =	stream.indirect_vreg.scatter [tilespmem:s13], [sflag:$0x3], $0x80, v3, vm0, $0xb8;
	[tilespmem:$0x10400] =	vst v63  }
0x73: {  	s25 =	simm.s32 $0x7C00;
	s4 =	simm.s32 $0x3  }
0x74: {  	[hbm4b:s7+s2] =	stream.indirect_vreg.scatter [tilespmem:s25], [sflag:$0x3], $0x80, v3, vm0, $0xb8;
	[tilespmem:$0x10400] =	vst v63  }
0x75: {  	_ =	swait.ge [sflag:s4], $0x8000  }
0x76: {  	[sflag:s4] =	ssyncset.done $0x0  }
0x77: {  	[sflag:s4] =	ssyncadd.s32 $0xFFFF8000  }
0x78: {  	_ =	swait.ge [sflag:s4], $0x8000  }
0x79: {  	[sflag:s4] =	ssyncset.done $0x0  }
0x7a: {  	s0 =	simm.s32 $0x2;
	s11 =	rddreg [dreg:$0x6];
	[sflag:s4] =	ssyncadd.s32 $0xFFFF8000  }
0x7b: {  	[tilespmem:s26], [sflag:$0x1] =	stream.linear.gather [hbm4b:s11+s2], $0x8000, $0x38;
	[tilespmem:$0x10400] =	vst v63  }
0x7c: {  	_ =	swait.ge [sflag:s0], $0x8000  }
0x7d: {  	[sflag:s0] =	ssyncset.done $0x0  }
0x7e: {  	[sflag:s0] =	ssyncadd.s32 $0xFFFF8000  }
0x7f: {  	v3 =	vld [tilespmem:$0x80];
	_ =	sdelay $0x4  }
0x80: {  	v52 =	vshll.u32 v3, $0x3  }
0x81: {  	v3 =	vand.u32 $0x7, v3;
	v4 =	vand.u32 $0xFFFFFFC0, v52  }
0x82: {  	v3 =	vor.u32 v3, v4  }
0x83: {  	v4 =	vperm.xlane v3, v0;
	_ =	sdelay $0x1  }
0x84: {  	v4 =	vadd.s32 v1, v4;
	_ =	sdelay $0x3  }
0x85: {  	s21 =	simm.s32 $0x8400  }
0x86: {  	[hbm4b:s3+s2] =	stream.indirect_vreg.scatter [tilespmem:s21], [sflag:$0x4], $0x80, v4, vm0, $0xb8;
	[tilespmem:$0x10400] =	vst v63  }
0x87: {  	s22 =	simm.s32 $0x8C00;
	v3 =	vperm.xlane v3, v2  }
0x88: {  	[hbm4b:s5+s2] =	stream.indirect_vreg.scatter [tilespmem:s22], [sflag:$0x4], $0x80, v4, vm0, $0xb8;
	[tilespmem:$0x10400] =	vst v63  }
0x89: {  	s12 =	simm.s32 $0x9400;
	v3 =	vadd.s32 v1, v3  }
0x8a: {  	[hbm4b:s6+s2] =	stream.indirect_vreg.scatter [tilespmem:s12], [sflag:$0x4], $0x80, v4, vm0, $0xb8;
	[tilespmem:$0x10400] =	vst v63  }
0x8b: {  	s13 =	simm.s32 $0x9C00  }
0x8c: {  	[hbm4b:s7+s2] =	stream.indirect_vreg.scatter [tilespmem:s13], [sflag:$0x4], $0x80, v4, vm0, $0xb8;
	[tilespmem:$0x10400] =	vst v63  }
0x8d: {  	s14 =	simm.s32 $0xA400  }
0x8e: {  	[hbm4b:s3+s2] =	stream.indirect_vreg.scatter [tilespmem:s14], [sflag:$0x4], $0x80, v3, vm0, $0xb8;
	[tilespmem:$0x10400] =	vst v63  }
0x8f: {  	s1 =	simm.s32 $0xAC00  }
0x90: {  	[hbm4b:s5+s2] =	stream.indirect_vreg.scatter [tilespmem:s1], [sflag:$0x4], $0x80, v3, vm0, $0xb8;
	[tilespmem:$0x10400] =	vst v63  }
0x91: {  	s15 =	simm.s32 $0xB400  }
0x92: {  	[hbm4b:s6+s2] =	stream.indirect_vreg.scatter [tilespmem:s15], [sflag:$0x4], $0x80, v3, vm0, $0xb8;
	[tilespmem:$0x10400] =	vst v63  }
0x93: {  	s16 =	simm.s32 $0xBC00  }
0x94: {  	[hbm4b:s7+s2] =	stream.indirect_vreg.scatter [tilespmem:s16], [sflag:$0x4], $0x80, v3, vm0, $0xb8;
	[tilespmem:$0x10400] =	vst v63  }
0x95: {  	v3 =	vld [tilespmem:$0x90];
	_ =	sdelay $0x4  }
0x96: {  	v53 =	vshll.u32 v3, $0x3  }
0x97: {  	v3 =	vand.u32 $0x7, v3;
	v4 =	vand.u32 $0xFFFFFFC0, v53  }
0x98: {  	v3 =	vor.u32 v3, v4  }
0x99: {  	v4 =	vperm.xlane v3, v0;
	_ =	sdelay $0x1  }
0x9a: {  	v4 =	vadd.s32 v1, v4;
	_ =	sdelay $0x3  }
0x9b: {  	s17 =	simm.s32 $0xC400  }
0x9c: {  	[hbm4b:s3+s2] =	stream.indirect_vreg.scatter [tilespmem:s17], [sflag:$0x4], $0x80, v4, vm0, $0xb8;
	[tilespmem:$0x10400] =	vst v63  }
0x9d: {  	s18 =	simm.s32 $0xCC00;
	v3 =	vperm.xlane v3, v2  }
0x9e: {  	[hbm4b:s5+s2] =	stream.indirect_vreg.scatter [tilespmem:s18], [sflag:$0x4], $0x80, v4, vm0, $0xb8;
	[tilespmem:$0x10400] =	vst v63  }
0x9f: {  	s20 =	simm.s32 $0xD400;
	v3 =	vadd.s32 v1, v3  }
0xa0: {  	[hbm4b:s6+s2] =	stream.indirect_vreg.scatter [tilespmem:s20], [sflag:$0x4], $0x80, v4, vm0, $0xb8;
	[tilespmem:$0x10400] =	vst v63  }
0xa1: {  	s16 =	simm.s32 $0xDC00  }
0xa2: {  	[hbm4b:s7+s2] =	stream.indirect_vreg.scatter [tilespmem:s16], [sflag:$0x4], $0x80, v4, vm0, $0xb8;
	[tilespmem:$0x10400] =	vst v63  }
0xa3: {  	s17 =	simm.s32 $0xE400  }
0xa4: {  	[hbm4b:s3+s2] =	stream.indirect_vreg.scatter [tilespmem:s17], [sflag:$0x4], $0x80, v3, vm0, $0xb8;
	[tilespmem:$0x10400] =	vst v63  }
0xa5: {  	s18 =	simm.s32 $0xEC00  }
0xa6: {  	[hbm4b:s5+s2] =	stream.indirect_vreg.scatter [tilespmem:s18], [sflag:$0x4], $0x80, v3, vm0, $0xb8;
	[tilespmem:$0x10400] =	vst v63  }
0xa7: {  	s15 =	simm.s32 $0xF400  }
0xa8: {  	[hbm4b:s6+s2] =	stream.indirect_vreg.scatter [tilespmem:s15], [sflag:$0x4], $0x80, v3, vm0, $0xb8;
	[tilespmem:$0x10400] =	vst v63  }
0xa9: {  	s20 =	simm.s32 $0xFC00  }
0xaa: {  	[hbm4b:s7+s2] =	stream.indirect_vreg.scatter [tilespmem:s20], [sflag:$0x4], $0x80, v3, vm0, $0xb8;
	[tilespmem:$0x10400] =	vst v63  }
0xab: {  	v3 =	vld [tilespmem:$0x280];
	_ =	sdelay $0x4  }
0xac: {  	v54 =	vshll.u32 v3, $0x3  }
0xad: {  	v3 =	vand.u32 $0x7, v3;
	v4 =	vand.u32 $0xFFFFFFC0, v54  }
0xae: {  	v3 =	vor.u32 v3, v4  }
0xaf: {  	v4 =	vperm.xlane v3, v0;
	_ =	sdelay $0x1  }
0xb0: {  	v4 =	vadd.s32 v1, v4;
	_ =	sdelay $0x4  }
0xb1: {  	[hbm4b:s3+s2] =	stream.indirect_vreg.scatter [tilespmem:s21], [sflag:$0x4], $0x80, v4, vm0, $0xb8;
	[tilespmem:$0x10400] =	vst v63  }
0xb2: {  	v3 =	vperm.xlane v3, v2  }
0xb3: {  	[hbm4b:s5+s2] =	stream.indirect_vreg.scatter [tilespmem:s22], [sflag:$0x4], $0x80, v4, vm0, $0xb8;
	[tilespmem:$0x10400] =	vst v63  }
0xb4: {  	s23 =	simm.s32 $0x9400;
	v3 =	vadd.s32 v1, v3  }
0xb5: {  	[hbm4b:s6+s2] =	stream.indirect_vreg.scatter [tilespmem:s23], [sflag:$0x4], $0x80, v4, vm0, $0xb8;
	[tilespmem:$0x10400] =	vst v63  }
0xb6: {  	s8 =	simm.s32 $0x9C00  }
0xb7: {  	[hbm4b:s7+s2] =	stream.indirect_vreg.scatter [tilespmem:s8], [sflag:$0x4], $0x80, v4, vm0, $0xb8;
	[tilespmem:$0x10400] =	vst v63  }
0xb8: {  	s9 =	simm.s32 $0xA400  }
0xb9: {  	[hbm4b:s3+s2] =	stream.indirect_vreg.scatter [tilespmem:s9], [sflag:$0x4], $0x80, v3, vm0, $0xb8;
	[tilespmem:$0x10400] =	vst v63  }
0xba: {  	_ = 	snop  }
0xbb: {  	[hbm4b:s5+s2] =	stream.indirect_vreg.scatter [tilespmem:s1], [sflag:$0x4], $0x80, v3, vm0, $0xb8;
	[tilespmem:$0x10400] =	vst v63  }
0xbc: {  	s11 =	simm.s32 $0xB400  }
0xbd: {  	[hbm4b:s6+s2] =	stream.indirect_vreg.scatter [tilespmem:s11], [sflag:$0x4], $0x80, v3, vm0, $0xb8;
	[tilespmem:$0x10400] =	vst v63  }
0xbe: {  	s10 =	simm.s32 $0xBC00  }
0xbf: {  	[hbm4b:s7+s2] =	stream.indirect_vreg.scatter [tilespmem:s10], [sflag:$0x4], $0x80, v3, vm0, $0xb8;
	[tilespmem:$0x10400] =	vst v63  }
0xc0: {  	v3 =	vld [tilespmem:$0x290];
	_ =	sdelay $0x4  }
0xc1: {  	v55 =	vshll.u32 v3, $0x3  }
0xc2: {  	v3 =	vand.u32 $0x7, v3;
	v4 =	vand.u32 $0xFFFFFFC0, v55  }
0xc3: {  	v3 =	vor.u32 v3, v4  }
0xc4: {  	v4 =	vperm.xlane v3, v0;
	_ =	sdelay $0x1  }
0xc5: {  	v4 =	vadd.s32 v1, v4;
	_ =	sdelay $0x3  }
0xc6: {  	s12 =	simm.s32 $0xC400  }
0xc7: {  	[hbm4b:s3+s2] =	stream.indirect_vreg.scatter [tilespmem:s12], [sflag:$0x4], $0x80, v4, vm0, $0xb8;
	[tilespmem:$0x10400] =	vst v63  }
0xc8: {  	s13 =	simm.s32 $0xCC00;
	v3 =	vperm.xlane v3, v2  }
0xc9: {  	[hbm4b:s5+s2] =	stream.indirect_vreg.scatter [tilespmem:s13], [sflag:$0x4], $0x80, v4, vm0, $0xb8;
	[tilespmem:$0x10400] =	vst v63  }
0xca: {  	s14 =	simm.s32 $0xD400;
	v3 =	vadd.s32 v1, v3  }
0xcb: {  	[hbm4b:s6+s2] =	stream.indirect_vreg.scatter [tilespmem:s14], [sflag:$0x4], $0x80, v4, vm0, $0xb8;
	[tilespmem:$0x10400] =	vst v63  }
0xcc: {  	_ = 	snop  }
0xcd: {  	[hbm4b:s7+s2] =	stream.indirect_vreg.scatter [tilespmem:s16], [sflag:$0x4], $0x80, v4, vm0, $0xb8;
	[tilespmem:$0x10400] =	vst v63  }
0xce: {  	_ = 	snop  }
0xcf: {  	[hbm4b:s3+s2] =	stream.indirect_vreg.scatter [tilespmem:s17], [sflag:$0x4], $0x80, v3, vm0, $0xb8;
	[tilespmem:$0x10400] =	vst v63  }
0xd0: {  	_ = 	snop  }
0xd1: {  	[hbm4b:s5+s2] =	stream.indirect_vreg.scatter [tilespmem:s18], [sflag:$0x4], $0x80, v3, vm0, $0xb8;
	[tilespmem:$0x10400] =	vst v63  }
0xd2: {  	s15 =	simm.s32 $0xF400  }
0xd3: {  	[hbm4b:s6+s2] =	stream.indirect_vreg.scatter [tilespmem:s15], [sflag:$0x4], $0x80, v3, vm0, $0xb8;
	[tilespmem:$0x10400] =	vst v63  }
0xd4: {  	s8 =	simm.s32 $0x4  }
0xd5: {  	[hbm4b:s7+s2] =	stream.indirect_vreg.scatter [tilespmem:s20], [sflag:$0x4], $0x80, v3, vm0, $0xb8;
	[tilespmem:$0x10400] =	vst v63  }
0xd6: {  	_ =	swait.ge [sflag:s8], $0x8000  }
0xd7: {  	[sflag:s8] =	ssyncset.done $0x0  }
0xd8: {  	[sflag:s8] =	ssyncadd.s32 $0xFFFF8000  }
0xd9: {  	_ =	swait.ge [sflag:s8], $0x8000  }
0xda: {  	[sflag:s8] =	ssyncset.done $0x0  }
0xdb: {  	s25 =	simm.s32 $0x8400;
	s23 =	rddreg [dreg:$0x7];
	[sflag:s8] =	ssyncadd.s32 $0xFFFF8000  }
0xdc: {  	[tilespmem:s25], [sflag:$0x2] =	stream.linear.gather [hbm4b:s23+s2], $0x8000, $0x38;
	[tilespmem:$0x10400] =	vst v63  }
0xdd: {  	_ =	swait.ge [sflag:s30], $0x8000  }
0xde: {  	[sflag:s30] =	ssyncset.done $0x0  }
0xdf: {  	[sflag:s30] =	ssyncadd.s32 $0xFFFF8000  }
0xe0: {  	v3 =	vld [tilespmem:$0x100];
	_ =	sdelay $0x4  }
0xe1: {  	v56 =	vshll.u32 v3, $0x3  }
0xe2: {  	v3 =	vand.u32 $0x7, v3;
	v4 =	vand.u32 $0xFFFFFFC0, v56  }
0xe3: {  	v3 =	vor.u32 v3, v4  }
0xe4: {  	v4 =	vperm.xlane v3, v0;
	_ =	sdelay $0x1  }
0xe5: {  	v4 =	vadd.s32 v1, v4;
	_ =	sdelay $0x4  }
0xe6: {  	[hbm4b:s3+s2] =	stream.indirect_vreg.scatter [tilespmem:s26], [sflag:$0x3], $0x80, v4, vm0, $0xb8;
	[tilespmem:$0x10400] =	vst v63  }
0xe7: {  	s15 =	simm.s32 $0xC00;
	v3 =	vperm.xlane v3, v2  }
0xe8: {  	[hbm4b:s5+s2] =	stream.indirect_vreg.scatter [tilespmem:s15], [sflag:$0x3], $0x80, v4, vm0, $0xb8;
	[tilespmem:$0x10400] =	vst v63  }
0xe9: {  	s13 =	simm.s32 $0x1400;
	v3 =	vadd.s32 v1, v3  }
0xea: {  	[hbm4b:s6+s2] =	stream.indirect_vreg.scatter [tilespmem:s13], [sflag:$0x3], $0x80, v4, vm0, $0xb8;
	[tilespmem:$0x10400] =	vst v63  }
0xeb: {  	s14 =	simm.s32 $0x1C00  }
0xec: {  	[hbm4b:s7+s2] =	stream.indirect_vreg.scatter [tilespmem:s14], [sflag:$0x3], $0x80, v4, vm0, $0xb8;
	[tilespmem:$0x10400] =	vst v63  }
0xed: {  	s25 =	simm.s32 $0x2400  }
0xee: {  	[hbm4b:s3+s2] =	stream.indirect_vreg.scatter [tilespmem:s25], [sflag:$0x3], $0x80, v3, vm0, $0xb8;
	[tilespmem:$0x10400] =	vst v63  }
0xef: {  	s30 =	simm.s32 $0x2C00  }
0xf0: {  	[hbm4b:s5+s2] =	stream.indirect_vreg.scatter [tilespmem:s30], [sflag:$0x3], $0x80, v3, vm0, $0xb8;
	[tilespmem:$0x10400] =	vst v63  }
0xf1: {  	_ = 	snop  }
0xf2: {  	[hbm4b:s6+s2] =	stream.indirect_vreg.scatter [tilespmem:s29], [sflag:$0x3], $0x80, v3, vm0, $0xb8;
	[tilespmem:$0x10400] =	vst v63  }
0xf3: {  	_ = 	snop  }
0xf4: {  	[hbm4b:s7+s2] =	stream.indirect_vreg.scatter [tilespmem:s24], [sflag:$0x3], $0x80, v3, vm0, $0xb8;
	[tilespmem:$0x10400] =	vst v63  }
0xf5: {  	v3 =	vld [tilespmem:$0x110];
	_ =	sdelay $0x4  }
0xf6: {  	v57 =	vshll.u32 v3, $0x3  }
0xf7: {  	v3 =	vand.u32 $0x7, v3;
	v4 =	vand.u32 $0xFFFFFFC0, v57  }
0xf8: {  	v3 =	vor.u32 v3, v4  }
0xf9: {  	v4 =	vperm.xlane v3, v0;
	_ =	sdelay $0x1  }
0xfa: {  	v4 =	vadd.s32 v1, v4;
	_ =	sdelay $0x3  }
0xfb: {  	s9 =	simm.s32 $0x4400  }
0xfc: {  	[hbm4b:s3+s2] =	stream.indirect_vreg.scatter [tilespmem:s9], [sflag:$0x3], $0x80, v4, vm0, $0xb8;
	[tilespmem:$0x10400] =	vst v63  }
0xfd: {  	s10 =	simm.s32 $0x4C00;
	v3 =	vperm.xlane v3, v2  }
0xfe: {  	[hbm4b:s5+s2] =	stream.indirect_vreg.scatter [tilespmem:s10], [sflag:$0x3], $0x80, v4, vm0, $0xb8;
	[tilespmem:$0x10400] =	vst v63  }
0xff: {  	v3 =	vadd.s32 v1, v3  }
0x100: {  	[hbm4b:s6+s2] =	stream.indirect_vreg.scatter [tilespmem:s28], [sflag:$0x3], $0x80, v4, vm0, $0xb8;
	[tilespmem:$0x10400] =	vst v63  }
0x101: {  	_ = 	snop  }
0x102: {  	[hbm4b:s7+s2] =	stream.indirect_vreg.scatter [tilespmem:s31], [sflag:$0x3], $0x80, v4, vm0, $0xb8;
	[tilespmem:$0x10400] =	vst v63  }
0x103: {  	s21 =	simm.s32 $0x6400  }
0x104: {  	[hbm4b:s3+s2] =	stream.indirect_vreg.scatter [tilespmem:s21], [sflag:$0x3], $0x80, v3, vm0, $0xb8;
	[tilespmem:$0x10400] =	vst v63  }
0x105: {  	s23 =	simm.s32 $0x6C00  }
0x106: {  	[hbm4b:s5+s2] =	stream.indirect_vreg.scatter [tilespmem:s23], [sflag:$0x3], $0x80, v3, vm0, $0xb8;
	[tilespmem:$0x10400] =	vst v63  }
0x107: {  	s11 =	simm.s32 $0x7400  }
0x108: {  	[hbm4b:s6+s2] =	stream.indirect_vreg.scatter [tilespmem:s11], [sflag:$0x3], $0x80, v3, vm0, $0xb8;
	[tilespmem:$0x10400] =	vst v63  }
0x109: {  	s12 =	simm.s32 $0x7C00  }
0x10a: {  	[hbm4b:s7+s2] =	stream.indirect_vreg.scatter [tilespmem:s12], [sflag:$0x3], $0x80, v3, vm0, $0xb8;
	[tilespmem:$0x10400] =	vst v63  }
0x10b: {  	v3 =	vld [tilespmem:$0x300];
	_ =	sdelay $0x4  }
0x10c: {  	v58 =	vshll.u32 v3, $0x3  }
0x10d: {  	v3 =	vand.u32 $0x7, v3;
	v4 =	vand.u32 $0xFFFFFFC0, v58  }
0x10e: {  	v3 =	vor.u32 v3, v4  }
0x10f: {  	v4 =	vperm.xlane v3, v0;
	_ =	sdelay $0x1  }
0x110: {  	v4 =	vadd.s32 v1, v4;
	_ =	sdelay $0x4  }
0x111: {  	[hbm4b:s3+s2] =	stream.indirect_vreg.scatter [tilespmem:s26], [sflag:$0x3], $0x80, v4, vm0, $0xb8;
	[tilespmem:$0x10400] =	vst v63  }
0x112: {  	v3 =	vperm.xlane v3, v2  }
0x113: {  	[hbm4b:s5+s2] =	stream.indirect_vreg.scatter [tilespmem:s15], [sflag:$0x3], $0x80, v4, vm0, $0xb8;
	[tilespmem:$0x10400] =	vst v63  }
0x114: {  	v3 =	vadd.s32 v1, v3  }
0x115: {  	[hbm4b:s6+s2] =	stream.indirect_vreg.scatter [tilespmem:s13], [sflag:$0x3], $0x80, v4, vm0, $0xb8;
	[tilespmem:$0x10400] =	vst v63  }
0x116: {  	_ = 	snop  }
0x117: {  	[hbm4b:s7+s2] =	stream.indirect_vreg.scatter [tilespmem:s14], [sflag:$0x3], $0x80, v4, vm0, $0xb8;
	[tilespmem:$0x10400] =	vst v63  }
0x118: {  	_ = 	snop  }
0x119: {  	[hbm4b:s3+s2] =	stream.indirect_vreg.scatter [tilespmem:s25], [sflag:$0x3], $0x80, v3, vm0, $0xb8;
	[tilespmem:$0x10400] =	vst v63  }
0x11a: {  	_ = 	snop  }
0x11b: {  	[hbm4b:s5+s2] =	stream.indirect_vreg.scatter [tilespmem:s30], [sflag:$0x3], $0x80, v3, vm0, $0xb8;
	[tilespmem:$0x10400] =	vst v63  }
0x11c: {  	_ = 	snop  }
0x11d: {  	[hbm4b:s6+s2] =	stream.indirect_vreg.scatter [tilespmem:s29], [sflag:$0x3], $0x80, v3, vm0, $0xb8;
	[tilespmem:$0x10400] =	vst v63  }
0x11e: {  	_ = 	snop  }
0x11f: {  	[hbm4b:s7+s2] =	stream.indirect_vreg.scatter [tilespmem:s24], [sflag:$0x3], $0x80, v3, vm0, $0xb8;
	[tilespmem:$0x10400] =	vst v63  }
0x120: {  	v3 =	vld [tilespmem:$0x310];
	_ =	sdelay $0x4  }
0x121: {  	v59 =	vshll.u32 v3, $0x3  }
0x122: {  	v3 =	vand.u32 $0x7, v3;
	v4 =	vand.u32 $0xFFFFFFC0, v59  }
0x123: {  	v3 =	vor.u32 v3, v4  }
0x124: {  	v4 =	vperm.xlane v3, v0;
	_ =	sdelay $0x1  }
0x125: {  	v4 =	vadd.s32 v1, v4;
	_ =	sdelay $0x4  }
0x126: {  	[hbm4b:s3+s2] =	stream.indirect_vreg.scatter [tilespmem:s9], [sflag:$0x3], $0x80, v4, vm0, $0xb8;
	[tilespmem:$0x10400] =	vst v63  }
0x127: {  	v3 =	vperm.xlane v3, v2  }
0x128: {  	[hbm4b:s5+s2] =	stream.indirect_vreg.scatter [tilespmem:s10], [sflag:$0x3], $0x80, v4, vm0, $0xb8;
	[tilespmem:$0x10400] =	vst v63  }
0x129: {  	v3 =	vadd.s32 v1, v3  }
0x12a: {  	[hbm4b:s6+s2] =	stream.indirect_vreg.scatter [tilespmem:s28], [sflag:$0x3], $0x80, v4, vm0, $0xb8;
	[tilespmem:$0x10400] =	vst v63  }
0x12b: {  	_ = 	snop  }
0x12c: {  	[hbm4b:s7+s2] =	stream.indirect_vreg.scatter [tilespmem:s31], [sflag:$0x3], $0x80, v4, vm0, $0xb8;
	[tilespmem:$0x10400] =	vst v63  }
0x12d: {  	_ = 	snop  }
0x12e: {  	[hbm4b:s3+s2] =	stream.indirect_vreg.scatter [tilespmem:s21], [sflag:$0x3], $0x80, v3, vm0, $0xb8;
	[tilespmem:$0x10400] =	vst v63  }
0x12f: {  	_ = 	snop  }
0x130: {  	[hbm4b:s5+s2] =	stream.indirect_vreg.scatter [tilespmem:s23], [sflag:$0x3], $0x80, v3, vm0, $0xb8;
	[tilespmem:$0x10400] =	vst v63  }
0x131: {  	_ = 	snop  }
0x132: {  	[hbm4b:s6+s2] =	stream.indirect_vreg.scatter [tilespmem:s11], [sflag:$0x3], $0x80, v3, vm0, $0xb8;
	[tilespmem:$0x10400] =	vst v63  }
0x133: {  	_ = 	snop  }
0x134: {  	[hbm4b:s7+s2] =	stream.indirect_vreg.scatter [tilespmem:s12], [sflag:$0x3], $0x80, v3, vm0, $0xb8;
	[tilespmem:$0x10400] =	vst v63  }
0x135: {  	_ =	swait.ge [sflag:s0], $0x8000  }
0x136: {  	[sflag:s0] =	ssyncset.done $0x0  }
0x137: {  	[sflag:s0] =	ssyncadd.s32 $0xFFFF8000  }
0x138: {  	v3 =	vld [tilespmem:$0x180];
	_ =	sdelay $0x4  }
0x139: {  	v60 =	vshll.u32 v3, $0x3  }
0x13a: {  	v3 =	vand.u32 $0x7, v3;
	v4 =	vand.u32 $0xFFFFFFC0, v60  }
0x13b: {  	v3 =	vor.u32 v3, v4  }
0x13c: {  	v4 =	vperm.xlane v3, v0;
	_ =	sdelay $0x1  }
0x13d: {  	v4 =	vadd.s32 v1, v4;
	_ =	sdelay $0x3  }
0x13e: {  	s30 =	simm.s32 $0x8400  }
0x13f: {  	[hbm4b:s3+s2] =	stream.indirect_vreg.scatter [tilespmem:s30], [sflag:$0x4], $0x80, v4, vm0, $0xb8;
	[tilespmem:$0x10400] =	vst v63  }
0x140: {  	v3 =	vperm.xlane v3, v2  }
0x141: {  	[hbm4b:s5+s2] =	stream.indirect_vreg.scatter [tilespmem:s22], [sflag:$0x4], $0x80, v4, vm0, $0xb8;
	[tilespmem:$0x10400] =	vst v63  }
0x142: {  	s10 =	simm.s32 $0x9400;
	v3 =	vadd.s32 v1, v3  }
0x143: {  	[hbm4b:s6+s2] =	stream.indirect_vreg.scatter [tilespmem:s10], [sflag:$0x4], $0x80, v4, vm0, $0xb8;
	[tilespmem:$0x10400] =	vst v63  }
0x144: {  	s11 =	simm.s32 $0x9C00  }
0x145: {  	[hbm4b:s7+s2] =	stream.indirect_vreg.scatter [tilespmem:s11], [sflag:$0x4], $0x80, v4, vm0, $0xb8;
	[tilespmem:$0x10400] =	vst v63  }
0x146: {  	s12 =	simm.s32 $0xA400  }
0x147: {  	[hbm4b:s3+s2] =	stream.indirect_vreg.scatter [tilespmem:s12], [sflag:$0x4], $0x80, v3, vm0, $0xb8;
	[tilespmem:$0x10400] =	vst v63  }
0x148: {  	_ = 	snop  }
0x149: {  	[hbm4b:s5+s2] =	stream.indirect_vreg.scatter [tilespmem:s1], [sflag:$0x4], $0x80, v3, vm0, $0xb8;
	[tilespmem:$0x10400] =	vst v63  }
0x14a: {  	s13 =	simm.s32 $0xB400  }
0x14b: {  	[hbm4b:s6+s2] =	stream.indirect_vreg.scatter [tilespmem:s13], [sflag:$0x4], $0x80, v3, vm0, $0xb8;
	[tilespmem:$0x10400] =	vst v63  }
0x14c: {  	s14 =	simm.s32 $0xBC00  }
0x14d: {  	[hbm4b:s7+s2] =	stream.indirect_vreg.scatter [tilespmem:s14], [sflag:$0x4], $0x80, v3, vm0, $0xb8;
	[tilespmem:$0x10400] =	vst v63  }
0x14e: {  	v3 =	vld [tilespmem:$0x190];
	_ =	sdelay $0x4  }
0x14f: {  	v61 =	vshll.u32 v3, $0x3  }
0x150: {  	v3 =	vand.u32 $0x7, v3;
	v4 =	vand.u32 $0xFFFFFFC0, v61  }
0x151: {  	v3 =	vor.u32 v3, v4  }
0x152: {  	v4 =	vperm.xlane v3, v0;
	_ =	sdelay $0x1  }
0x153: {  	v4 =	vadd.s32 v1, v4;
	_ =	sdelay $0x3  }
0x154: {  	s15 =	simm.s32 $0xC400  }
0x155: {  	[hbm4b:s3+s2] =	stream.indirect_vreg.scatter [tilespmem:s15], [sflag:$0x4], $0x80, v4, vm0, $0xb8;
	[tilespmem:$0x10400] =	vst v63  }
0x156: {  	s25 =	simm.s32 $0xCC00;
	v3 =	vperm.xlane v3, v2  }
0x157: {  	[hbm4b:s5+s2] =	stream.indirect_vreg.scatter [tilespmem:s25], [sflag:$0x4], $0x80, v4, vm0, $0xb8;
	[tilespmem:$0x10400] =	vst v63  }
0x158: {  	s26 =	simm.s32 $0xD400;
	v3 =	vadd.s32 v1, v3  }
0x159: {  	[hbm4b:s6+s2] =	stream.indirect_vreg.scatter [tilespmem:s26], [sflag:$0x4], $0x80, v4, vm0, $0xb8;
	[tilespmem:$0x10400] =	vst v63  }
0x15a: {  	_ = 	snop  }
0x15b: {  	[hbm4b:s7+s2] =	stream.indirect_vreg.scatter [tilespmem:s16], [sflag:$0x4], $0x80, v4, vm0, $0xb8;
	[tilespmem:$0x10400] =	vst v63  }
0x15c: {  	_ = 	snop  }
0x15d: {  	[hbm4b:s3+s2] =	stream.indirect_vreg.scatter [tilespmem:s17], [sflag:$0x4], $0x80, v3, vm0, $0xb8;
	[tilespmem:$0x10400] =	vst v63  }
0x15e: {  	_ = 	snop  }
0x15f: {  	[hbm4b:s5+s2] =	stream.indirect_vreg.scatter [tilespmem:s18], [sflag:$0x4], $0x80, v3, vm0, $0xb8;
	[tilespmem:$0x10400] =	vst v63  }
0x160: {  	s30 =	simm.s32 $0xF400  }
0x161: {  	[hbm4b:s6+s2] =	stream.indirect_vreg.scatter [tilespmem:s30], [sflag:$0x4], $0x80, v3, vm0, $0xb8;
	[tilespmem:$0x10400] =	vst v63  }
0x162: {  	_ = 	snop  }
0x163: {  	[hbm4b:s7+s2] =	stream.indirect_vreg.scatter [tilespmem:s20], [sflag:$0x4], $0x80, v3, vm0, $0xb8;
	[tilespmem:$0x10400] =	vst v63  }
0x164: {  	v3 =	vld [tilespmem:$0x380];
	_ =	sdelay $0x4  }
0x165: {  	v62 =	vshll.u32 v3, $0x3  }
0x166: {  	v3 =	vand.u32 $0x7, v3;
	v4 =	vand.u32 $0xFFFFFFC0, v62  }
0x167: {  	v3 =	vor.u32 v3, v4  }
0x168: {  	v4 =	vperm.xlane v3, v0;
	_ =	sdelay $0x1  }
0x169: {  	v4 =	vadd.s32 v1, v4;
	_ =	sdelay $0x3  }
0x16a: {  	s9 =	simm.s32 $0x8400  }
0x16b: {  	[hbm4b:s3+s2] =	stream.indirect_vreg.scatter [tilespmem:s9], [sflag:$0x4], $0x80, v4, vm0, $0xb8;
	[tilespmem:$0x10400] =	vst v63  }
0x16c: {  	v3 =	vperm.xlane v3, v2  }
0x16d: {  	[hbm4b:s5+s2] =	stream.indirect_vreg.scatter [tilespmem:s22], [sflag:$0x4], $0x80, v4, vm0, $0xb8;
	[tilespmem:$0x10400] =	vst v63  }
0x16e: {  	v3 =	vadd.s32 v1, v3  }
0x16f: {  	[hbm4b:s6+s2] =	stream.indirect_vreg.scatter [tilespmem:s10], [sflag:$0x4], $0x80, v4, vm0, $0xb8;
	[tilespmem:$0x10400] =	vst v63  }
0x170: {  	_ = 	snop  }
0x171: {  	[hbm4b:s7+s2] =	stream.indirect_vreg.scatter [tilespmem:s11], [sflag:$0x4], $0x80, v4, vm0, $0xb8;
	[tilespmem:$0x10400] =	vst v63  }
0x172: {  	_ = 	snop  }
0x173: {  	[hbm4b:s3+s2] =	stream.indirect_vreg.scatter [tilespmem:s12], [sflag:$0x4], $0x80, v3, vm0, $0xb8;
	[tilespmem:$0x10400] =	vst v63  }
0x174: {  	_ = 	snop  }
0x175: {  	[hbm4b:s5+s2] =	stream.indirect_vreg.scatter [tilespmem:s1], [sflag:$0x4], $0x80, v3, vm0, $0xb8;
	[tilespmem:$0x10400] =	vst v63  }
0x176: {  	_ = 	snop  }
0x177: {  	[hbm4b:s6+s2] =	stream.indirect_vreg.scatter [tilespmem:s13], [sflag:$0x4], $0x80, v3, vm0, $0xb8;
	[tilespmem:$0x10400] =	vst v63  }
0x178: {  	_ = 	snop  }
0x179: {  	[hbm4b:s7+s2] =	stream.indirect_vreg.scatter [tilespmem:s14], [sflag:$0x4], $0x80, v3, vm0, $0xb8;
	[tilespmem:$0x10400] =	vst v63  }
0x17a: {  	v3 =	vld [tilespmem:$0x390];
	_ =	sdelay $0x4  }
0x17b: {  	v63 =	vshll.u32 v3, $0x3  }
0x17c: {  	v3 =	vand.u32 $0x7, v3;
	v4 =	vand.u32 $0xFFFFFFC0, v63  }
0x17d: {  	v3 =	vor.u32 v3, v4  }
0x17e: {  	v4 =	vperm.xlane v3, v0;
	_ =	sdelay $0x1  }
0x17f: {  	v4 =	vadd.s32 v1, v4;
	_ =	sdelay $0x4  }
0x180: {  	[hbm4b:s3+s2] =	stream.indirect_vreg.scatter [tilespmem:s15], [sflag:$0x4], $0x80, v4, vm0, $0xb8;
	[tilespmem:$0x10400] =	vst v63  }
0x181: {  	v3 =	vperm.xlane v3, v2  }
0x182: {  	[hbm4b:s5+s2] =	stream.indirect_vreg.scatter [tilespmem:s25], [sflag:$0x4], $0x80, v4, vm0, $0xb8;
	[tilespmem:$0x10400] =	vst v63  }
0x183: {  	v3 =	vadd.s32 v1, v3  }
0x184: {  	[hbm4b:s6+s2] =	stream.indirect_vreg.scatter [tilespmem:s26], [sflag:$0x4], $0x80, v4, vm0, $0xb8;
	[tilespmem:$0x10400] =	vst v63  }
0x185: {  	_ = 	snop  }
0x186: {  	[hbm4b:s7+s2] =	stream.indirect_vreg.scatter [tilespmem:s16], [sflag:$0x4], $0x80, v4, vm0, $0xb8;
	[tilespmem:$0x10400] =	vst v63  }
0x187: {  	_ = 	snop  }
0x188: {  	[hbm4b:s3+s2] =	stream.indirect_vreg.scatter [tilespmem:s17], [sflag:$0x4], $0x80, v3, vm0, $0xb8;
	[tilespmem:$0x10400] =	vst v63  }
0x189: {  	_ = 	snop  }
0x18a: {  	[hbm4b:s5+s2] =	stream.indirect_vreg.scatter [tilespmem:s18], [sflag:$0x4], $0x80, v3, vm0, $0xb8;
	[tilespmem:$0x10400] =	vst v63  }
0x18b: {  	_ = 	snop  }
0x18c: {  	[hbm4b:s6+s2] =	stream.indirect_vreg.scatter [tilespmem:s30], [sflag:$0x4], $0x80, v3, vm0, $0xb8;
	[tilespmem:$0x10400] =	vst v63  }
0x18d: {  	_ = 	snop  }
0x18e: {  	[hbm4b:s7+s2] =	stream.indirect_vreg.scatter [tilespmem:s20], [sflag:$0x4], $0x80, v3, vm0, $0xb8;
	[tilespmem:$0x10400] =	vst v63  }
0x18f: {  	_ =	swait.ge [sflag:s8], $0x8000  }
0x190: {  	[sflag:s8] =	ssyncset.done $0x0  }
0x191: {  	[sflag:s8] =	ssyncadd.s32 $0xFFFF8000  }
0x192: {  	_ =	swait.ge [sflag:s8], $0x8000  }
0x193: {  	[sflag:s8] =	ssyncset.done $0x0  }
0x194: {  	[sflag:s8] =	ssyncadd.s32 $0xFFFF8000  }
0x195: {  	p0 =	sne.s32 s19, $0x1;
	_ =	swait.ge [sflag:s4], $0x8000  }
.Ltmp0:
0x196: {  	[sflag:s4] =	ssyncset.done $0x0;
	(pc) =	sbr.rel @p0 .LBB2_1-.Ltmp0, $4  }
0x197: {  	[sflag:s4] =	ssyncadd.s32 $0xFFFF8000  }
0x198: {  	_ =	swait.ge [sflag:s4], $0x8000  }
0x199: {  	[sflag:s4] =	ssyncset.done $0x0  }
0x19a: {  	s19 =	sadd.s32 $0xFFFFFFFF, s19;
	[sflag:s4] =	ssyncadd.s32 $0xFFFF8000  }
0x19b: {  	_ =	sfence.sel $0x180000  }
0x19c: {  	[bflag:$0x0] =	sbarrier.arrive $0xFFFF  }
0x19d: {  	_ =	strace $0x90000047  }
0x19e: {  	s0 =	stileid.u32;
	[bflag:$0x2] =	sbarrier.arrive $0xFFFF  }
0x19f: {  	p0 =	sne.s32 s0, $0x0;
	s0 =	rddreg [dreg:$0x2]  }
0x1a0: {  	s0 =	sadd.s32 @!p0 $0x100000, s0  }
0x1a1: {  	[sflag:s0] =	ssyncadd.tile.s32 @!p0 $0x1;
	_ =	shalt  }
.Lfunc_end2:
_tile_overlayer_lowered:
.L_overlay_start_2:
0x1a2: {  	(tag) =	ssettag $0x2  }
0x1a3: {  	s0 =	rddreg [dreg:$0x0];
	s2 =	stileid.u32  }
0x1a4: {  	s1 =	rddreg [dreg:$0x1];
	p0 =	sne.s32 s2, $0x0  }
0x1a5: {  	s3 =	rddreg [dreg:$0x2];
	[bflag:$0x3] =	sbarrier.arrive $0xFFFF;
	s2 =	simm.s32 @!p0 $0x1C05  }
0x1a6: {  	[timem:s3], [sflag:s2] =	dma.local @!p0 [hbm:s0], s1  }
0x1a7: {  	s0 =	simm.s32 @!p0 $0x5  }
0x1a8: {  	_ =	swait.ge @!p0 [sflag:s0], s1  }
0x1a9: {  	s1 =	ssub.s32 @!p0 $0x0, s1;
	[sflag:s0] =	ssyncset.done @!p0 $0x0  }
0x1aa: {  	[sflag:s0] =	ssyncadd.s32 @!p0 s1  }
0x1ab: {  	[bflag:$0x3] =	sbarrier.arrive $0xFFFF  }
0x1ac: {  	_ =	shalt  }

</sc_bundles>
